<compile_context>
chip_gen: v7x
topology: tpu7x:2x2x1
jax: 0.10.2.dev20260603
libtpu: 0.0.44.dev20260713+nightly
codegen_flags: <defaults>
</compile_context>

<pallas_src>
import functools

import jax
import jax.numpy as jnp
import numpy as np
from jax import lax
from jax.experimental import pallas as pl
from jax.experimental.pallas import tpu as pltpu
from jax.experimental.pallas import tpu_sc as plsc

N = 10000
E = 320000
D = 128
H = 128
B = 64
C = 10

NC = 2
NS = 16
K = 128
CH = -(-E // (NS * K))
E_CAP = NS * CH * K
SPLIT = N // NC
ACC_ROWS = 5120
DUMP = SPLIT
RPS = ACC_ROWS // NS

_HIGHEST = jax.lax.Precision.HIGHEST



def _sc_scatter_body(h_hbm, srcw_hbm, dstw_hbm, zeros_hbm,
                     out0_hbm, out1_hbm,
                     src_v, dst_v, rows0, rows1, zv, acc, sem0, sem1):
    c = lax.axis_index("c")
    s = lax.axis_index("s")
    idx = c * NS + s

    pltpu.sync_copy(srcw_hbm.at[s], src_v)
    pltpu.sync_copy(dstw_hbm.at[idx], dst_v)

    pltpu.sync_copy(zeros_hbm, zv)
    base = s * RPS
    for t in range(RPS // 64):
        pltpu.sync_copy(zv, acc.at[pl.ds(base + 64 * t, 64)])
    plsc.subcore_barrier()

    pltpu.async_copy(h_hbm.at[src_v.at[0]], rows0, sem0)
    pltpu.async_copy(h_hbm.at[src_v.at[1]], rows1, sem1)

    @pl.loop(0, CH, step=2)
    def _(j):
        pltpu.make_async_copy(h_hbm.at[src_v.at[j]], rows0, sem0).wait()
        pltpu.sync_copy(rows0, acc.at[dst_v.at[j]], add=True)

        @pl.when(j + 2 < CH)
        def _():
            pltpu.async_copy(h_hbm.at[src_v.at[j + 2]], rows0, sem0)

        @pl.when(j + 1 < CH)
        def _():
            pltpu.make_async_copy(h_hbm.at[src_v.at[j + 1]], rows1, sem1).wait()
            pltpu.sync_copy(rows1, acc.at[dst_v.at[j + 1]], add=True)

            @pl.when(j + 3 < CH)
            def _():
                pltpu.async_copy(h_hbm.at[src_v.at[j + 3]], rows1, sem1)

    plsc.subcore_barrier()

    @pl.when(c == 0)
    def _():
        pltpu.sync_copy(acc.at[pl.ds(base, RPS)], out0_hbm.at[pl.ds(base, RPS)])

    @pl.when(c == 1)
    def _():
        pltpu.sync_copy(acc.at[pl.ds(base, RPS)], out1_hbm.at[pl.ds(base, RPS)])


@functools.lru_cache(maxsize=1)
def _make_sc_scatter():
    return pl.kernel(
        _sc_scatter_body,
        out_type=(jax.ShapeDtypeStruct((ACC_ROWS, H), jnp.float32),
                  jax.ShapeDtypeStruct((ACC_ROWS, H), jnp.float32)),
        mesh=plsc.VectorSubcoreMesh(core_axis_name="c", subcore_axis_name="s",
                                    num_cores=NC, num_subcores=NS),
        scratch_types=[
            pltpu.VMEM((CH, K), jnp.int32),
            pltpu.VMEM((CH, K), jnp.int32),
            pltpu.VMEM((K, H), jnp.float32),
            pltpu.VMEM((K, H), jnp.float32),
            pltpu.VMEM((64, H), jnp.float32),
            pltpu.VMEM_SHARED((ACC_ROWS, H), jnp.float32),
            pltpu.SemaphoreType.DMA,
            pltpu.SemaphoreType.DMA,
        ],
    )


def _sc_scatter(h, srcw, dstw, zeros_blk):
    return _make_sc_scatter()(h, srcw, dstw, zeros_blk)



def _mlp_body(x_ref, a_ref, er_ref, w1_ref, b1_ref, w2_ref, b2_ref, o_ref):
    h = x_ref[...] * er_ref[...] + a_ref[...]
    h = jnp.dot(h, w1_ref[...], preferred_element_type=jnp.float32,
                precision=_HIGHEST) + b1_ref[...]
    h = jnp.maximum(h, 0.0)
    h = jnp.dot(h, w2_ref[...], preferred_element_type=jnp.float32,
                precision=_HIGHEST) + b2_ref[...]
    o_ref[...] = jnp.maximum(h, 0.0)


def _gin_mlp(x, a0, a1, epsrow, w1, b1, w2, b2):
    grid = (NC,)
    row_spec = pl.BlockSpec((SPLIT, H), lambda i: (i, 0))
    a_spec = pl.BlockSpec((SPLIT, H), lambda i: (i, 0))
    full = pl.BlockSpec((1, H), lambda i: (0, 0))
    wspec = pl.BlockSpec((H, H), lambda i: (0, 0))
    a = jnp.concatenate([a0, a1], axis=0)
    return pl.pallas_call(
        _mlp_body,
        grid=grid,
        in_specs=[row_spec, a_spec, full, wspec, full, wspec, full],
        out_specs=row_spec,
        out_shape=jax.ShapeDtypeStruct((N, H), jnp.float32),
    )(x, a, epsrow, w1, b1, w2, b2)


def _bn_body(h_ref, g_ref, b_ref, o_ref):
    h = h_ref[...]
    mu = jnp.mean(h, axis=0, keepdims=True)
    d = h - mu
    var = jnp.mean(d * d, axis=0, keepdims=True)
    o_ref[...] = d * lax.rsqrt(var + 1e-5) * g_ref[...] + b_ref[...]


def _bn(h, gamma, beta):
    return pl.pallas_call(
        _bn_body,
        out_shape=jax.ShapeDtypeStruct((N, H), jnp.float32),
    )(h, gamma, beta)



def _head_body(h_ref, batch_ref, mdp_ref, k1_ref, b1_ref, k2_ref, b2_ref,
               fcw_ref, fcb_ref, l1w_ref, l1b_ref, l2wa_ref, l2wb_ref,
               l2b_ref, l3w_ref, l3b_ref, o_ref):
    y = jnp.dot(mdp_ref[...], k1_ref[...], preferred_element_type=jnp.float32,
                precision=_HIGHEST) + b1_ref[...]
    m = jnp.maximum(jnp.maximum(y[:, 0:256], y[:, 256:512]),
                    jnp.maximum(y[:, 512:768], y[:, 768:1024]))
    p = jnp.maximum(m[:, 0:216], 0.0)
    xm = jnp.dot(p, k2_ref[...], preferred_element_type=jnp.float32,
                 precision=_HIGHEST) + b2_ref[...]
    xm = jnp.maximum(xm, 0.0)
    xm = jnp.dot(xm, fcw_ref[...], preferred_element_type=jnp.float32,
                 precision=_HIGHEST) + fcb_ref[...]
    xm = jnp.maximum(xm, 0.0)

    onehot = (batch_ref[...] ==
              lax.broadcasted_iota(jnp.int32, (B, N), 0)).astype(jnp.float32)
    sums = jnp.dot(onehot, h_ref[...], preferred_element_type=jnp.float32,
                   precision=_HIGHEST)
    cnt = jnp.sum(onehot, axis=1, keepdims=True)
    g = sums / jnp.maximum(cnt, 1.0)

    g = jnp.dot(g, l1w_ref[...], preferred_element_type=jnp.float32,
                precision=_HIGHEST) + l1b_ref[...]
    g = jnp.maximum(g, 0.0)
    z = (jnp.dot(g, l2wa_ref[...], preferred_element_type=jnp.float32,
                 precision=_HIGHEST)
         + jnp.dot(xm, l2wb_ref[...], preferred_element_type=jnp.float32,
                   precision=_HIGHEST) + l2b_ref[...])
    z = jnp.maximum(z, 0.0)
    z = jnp.dot(z, l3w_ref[...], preferred_element_type=jnp.float32,
                precision=_HIGHEST) + l3b_ref[...]

    zmax = jnp.max(z, axis=1, keepdims=True)
    ez = jnp.exp(z - zmax)
    lse = zmax + jnp.log(jnp.sum(ez, axis=1, keepdims=True))
    o_ref[...] = z - lse


def _head(h3, batch_row, mdp, k1, b1, k2, b2, fcw, fcb, l1w, l1b, l2wa, l2wb,
          l2b, l3w, l3b):
    return pl.pallas_call(
        _head_body,
        out_shape=jax.ShapeDtypeStruct((B, C), jnp.float32),
    )(h3, batch_row, mdp, k1, b1, k2, b2, fcw, fcb, l1w, l1b, l2wa, l2wb,
      l2b, l3w, l3b)



def _conv1_maps():
    rows, cols, taps = [], [], []
    bcols, bo = [], []
    for a_i in (0, 1):
        for a_j in (0, 1):
            a = a_i * 2 + a_j
            for o in range(6):
                for i2 in range(6):
                    for j2 in range(6):
                        col = a * 256 + o * 36 + i2 * 6 + j2
                        bcols.append(col)
                        bo.append(o)
                        for di in range(5):
                            for dj in range(5):
                                p_ = (2 * i2 + a_i + di) * 16 + (2 * j2 + a_j + dj)
                                rows.append(p_)
                                cols.append(col)
                                taps.append(o * 25 + di * 5 + dj)
    return (np.array(rows), np.array(cols), np.array(taps),
            np.array(bcols), np.array(bo))


def _conv2_maps():
    rows, cols, taps = [], [], []
    for o in range(16):
        for i in (0, 1):
            for j in (0, 1):
                col = o * 4 + i * 2 + j
                for cch in range(6):
                    for di in range(5):
                        for dj in range(5):
                            q = cch * 36 + (i + di) * 6 + (j + dj)
                            rows.append(q)
                            cols.append(col)
                            taps.append(((o * 6 + cch) * 5 + di) * 5 + dj)
    return np.array(rows), np.array(cols), np.array(taps)


def _gather_maps():
    c1r, c1c, c1t, c1bc, c1bo = _conv1_maps()
    c2r, c2c, c2t = _conv2_maps()
    m1 = np.full((256, 1024), 150, np.int32)
    m1[c1r, c1c] = c1t
    mb1 = np.full((1, 1024), 6, np.int32)
    mb1[0, c1bc] = c1bo
    m2 = np.full((216, 64), 2400, np.int32)
    m2[c2r, c2c] = c2t
    mb2 = np.repeat(np.arange(16, dtype=np.int32), 4).reshape(1, 64)
    return m1, mb1, m2, mb2


_M1, _MB1, _M2, _MB2 = _gather_maps()



def kernel(x, edge_index, batch, MD, params):
    src = edge_index[0].astype(jnp.int32)
    dst = edge_index[1].astype(jnp.int32)
    srcw = jnp.zeros((E_CAP,), jnp.int32).at[:E].set(src).reshape(NS, CH, K)
    d0 = jnp.where(dst < SPLIT, dst, DUMP)
    d1 = jnp.where(dst >= SPLIT, dst - SPLIT, DUMP)
    dstw = jnp.full((NC, E_CAP), DUMP, jnp.int32).at[:, :E].set(
        jnp.stack([d0, d1])).reshape(NC * NS, CH, K)
    zeros_blk = jnp.zeros((64, H), jnp.float32)

    batch_row = batch.astype(jnp.int32).reshape(1, N)

    p = params
    w1f = jnp.concatenate([p['cw1'].reshape(-1), jnp.zeros((1,), jnp.float32)])
    k1 = w1f[_M1]
    cb1 = jnp.concatenate([p['cb1'], jnp.zeros((1,), jnp.float32)])
    b1 = cb1[_MB1]
    w2f = jnp.concatenate([p['cw2'].reshape(-1), jnp.zeros((1,), jnp.float32)])
    k2 = w2f[_M2]
    b2 = p['cb2'][_MB2]
    mdp = jnp.pad(MD.reshape(B, 12, 12), ((0, 0), (2, 2), (2, 2))).reshape(B, 256)

    h = x
    for li in range(3):
        gp = p['gin%d' % li]
        a0, a1 = _sc_scatter(h, srcw, dstw, zeros_blk)
        epsrow = (1.0 + gp['eps']) * jnp.ones((1, H), jnp.float32)
        h = _gin_mlp(h, a0[:SPLIT], a1[:SPLIT], epsrow,
                     gp['W1'], gp['b1'].reshape(1, H),
                     gp['W2'], gp['b2'].reshape(1, H))
        h = _bn(h, gp['gamma'].reshape(1, H), gp['beta'].reshape(1, H))

    return _head(h, batch_row, mdp, k1, b1, k2, b2,
                 p['fcW'], p['fcb'].reshape(1, 64),
                 p['l1W'], p['l1b'].reshape(1, H),
                 p['l2W'][:H], p['l2W'][H:], p['l2b'].reshape(1, 64),
                 p['l3W'], p['l3b'].reshape(1, C))

# --- scband reference (transcript-rebuilt; emitter-appended) ---
"""Pipeline reference for scband-gin-cnn-12661563588883 (READ-ONLY COPY).

The authoritative reference and input builder live on the scoring server;
editing this copy changes nothing except your own understanding.
"""

import jax, jax.numpy as jnp
import numpy as np

N = 10000
E = 320000
D = 128
H = 128
B = 64
C = 10


def setup_inputs(seed: int = 0):
    key = jax.random.key(seed)
    ks = [jax.random.fold_in(key, i) for i in range(40)]
    x = jax.random.normal(ks[0], (N, D), dtype=jnp.float32)
    edge_index = jax.random.randint(ks[1], (2, E), 0, N)
    batch = jnp.sort(jax.random.randint(ks[2], (N,), 0, B))
    batch = batch.at[0].set(0).at[-1].set(B - 1)
    MD = jax.random.normal(ks[3], (B, 144), dtype=jnp.float32)

    def lin(k, i, o):
        return jax.random.normal(k, (i, o), dtype=jnp.float32) / np.sqrt(i)

    params = {}
    idx = 4
    for li, din in enumerate([D, H, H]):
        params['gin%d' % li] = {
            'eps': jnp.zeros((), jnp.float32),
            'W1': lin(ks[idx], din, H), 'b1': jnp.zeros((H,), jnp.float32),
            'W2': lin(ks[idx + 1], H, H), 'b2': jnp.zeros((H,), jnp.float32),
            'gamma': jnp.ones((H,), jnp.float32), 'beta': jnp.zeros((H,), jnp.float32)}
        idx += 2
    params['cw1'] = jax.random.normal(ks[idx], (6, 1, 5, 5), dtype=jnp.float32) / 5.0; idx += 1
    params['cb1'] = jnp.zeros((6,), jnp.float32)
    params['cw2'] = jax.random.normal(ks[idx], (16, 6, 5, 5), dtype=jnp.float32) / np.sqrt(6 * 25); idx += 1
    params['cb2'] = jnp.zeros((16,), jnp.float32)
    params['fcW'] = lin(ks[idx], 64, 64); idx += 1
    params['fcb'] = jnp.zeros((64,), jnp.float32)
    params['l1W'] = lin(ks[idx], H, H); idx += 1
    params['l1b'] = jnp.zeros((H,), jnp.float32)
    params['l2W'] = lin(ks[idx], H + 64, 64); idx += 1
    params['l2b'] = jnp.zeros((64,), jnp.float32)
    params['l3W'] = lin(ks[idx], 64, C); idx += 1
    params['l3b'] = jnp.zeros((C,), jnp.float32)
    return {'x': x, 'edge_index': edge_index, 'batch': batch, 'MD': MD, 'params': params}


def _conv2d(x, w, b, pad):
    y = jax.lax.conv_general_dilated(x, w, (1, 1), pad, dimension_numbers=('NCHW', 'OIHW', 'NCHW'))
    return y + b[None, :, None, None]


def _maxpool2(x):
    return jax.lax.reduce_window(x, -jnp.inf, jax.lax.max, (1, 1, 2, 2), (1, 1, 2, 2), 'VALID')


def _gin(x, edge_index, p):
    agg = jax.ops.segment_sum(x[edge_index[0]], edge_index[1], num_segments=x.shape[0])
    h = (1.0 + p['eps']) * x + agg
    h = jnp.maximum(h @ p['W1'] + p['b1'], 0.0)
    h = jnp.maximum(h @ p['W2'] + p['b2'], 0.0)
    mu = jnp.mean(h, axis=0)
    var = jnp.var(h, axis=0)
    return (h - mu) / jnp.sqrt(var + 1e-5) * p['gamma'] + p['beta']


def _forward(x, MD, params, edge_index, batch):
    xm = MD.reshape(B, 1, 12, 12)
    xm = jnp.maximum(_maxpool2(_conv2d(xm, params['cw1'], params['cb1'], [(2, 2), (2, 2)])), 0.0)
    xm = jnp.maximum(_conv2d(xm, params['cw2'], params['cb2'], 'VALID'), 0.0)
    xm = xm.reshape(B, 16 * 2 * 2)
    xm = jnp.maximum(xm @ params['fcW'] + params['fcb'], 0.0)
    h = _gin(x, edge_index, params['gin0'])
    h = _gin(h, edge_index, params['gin1'])
    h = _gin(h, edge_index, params['gin2'])
    sums = jax.ops.segment_sum(h, batch, num_segments=B)
    cnt = jax.ops.segment_sum(jnp.ones((h.shape[0],), jnp.float32), batch, num_segments=B)
    g = sums / jnp.maximum(cnt, 1.0)[:, None]
    g = jnp.maximum(g @ params['l1W'] + params['l1b'], 0.0)
    z = jnp.concatenate([g, xm], axis=1)
    z = jnp.maximum(z @ params['l2W'] + params['l2b'], 0.0)
    z = z @ params['l3W'] + params['l3b']
    return jax.nn.log_softmax(z, axis=-1)


def reference(x, edge_index, batch, MD, params):
    return _forward(x, MD, params, edge_index, batch)

if __name__ == "__main__":
    import jax
    _d = setup_inputs()
    print(jax.jit(kernel)(*tuple(_d.values())))

</pallas_src>

<mosaic_0001>
#map = affine_map<(d0, d1) -> (0, 0)>
#map1 = affine_map<(d0, d1) -> (0, 0, 0)>
module attributes {stable_mosaic.version = 14 : i64} {
  func.func @_sc_scatter_body(%arg0: i32, %arg1: i32, %arg2: memref<10000x128xf32, #tpu.memory_space<hbm>>, %arg3: memref<16x157x128xi32, #tpu.memory_space<hbm>>, %arg4: memref<32x157x128xi32, #tpu.memory_space<hbm>>, %arg5: memref<64x128xf32, #tpu.memory_space<hbm>>, %arg6: memref<5120x128xf32, #tpu.memory_space<hbm>>, %arg7: memref<5120x128xf32, #tpu.memory_space<hbm>>, %arg8: memref<157x128xi32, #tpu.memory_space<vmem>>, %arg9: memref<157x128xi32, #tpu.memory_space<vmem>>, %arg10: memref<128x128xf32, #tpu.memory_space<vmem>>, %arg11: memref<128x128xf32, #tpu.memory_space<vmem>>, %arg12: memref<64x128xf32, #tpu.memory_space<vmem>>, %arg13: memref<5120x128xf32, #tpu.memory_space<vmem_shared>>, %arg14: memref<!tpu.dma_semaphore, #tpu.memory_space<semaphore_mem>>, %arg15: memref<!tpu.dma_semaphore, #tpu.memory_space<semaphore_mem>>) attributes {dimension_semantics = [#tpu.dimension_semantics<core_parallel>, #tpu.dimension_semantics<subcore_parallel>], iteration_bounds = array<i64: 2, 16>, scalar_prefetch = 0 : i64, scratch_operands = 8 : i64, tpu.core_type = #tpu.core_type<sc_vector_subcore>, window_params = [{transform_indices = #map}, {transform_indices = #map1}, {transform_indices = #map1}, {transform_indices = #map}, {transform_indices = #map}, {transform_indices = #map}]} {
    %mul3A = arith.constant 16 : i32
    %mul3A_0 = arith.muli %arg0, %mul3A : i32
    %add3A = arith.addi %mul3A_0, %arg1 : i32
    "tpu.region"() ({
      %run_scoped3A = tpu.sem_alloc : memref<!tpu.dma_semaphore, #tpu.memory_space<semaphore_mem>>
      %dma_start3A_38 = arith.constant 0 : i32
      %dma_start3A_39 = arith.constant 0 : i32
      %dma_start3A_40 = tpu.memref_slice %arg3[%arg1, %dma_start3A_38, %dma_start3A_39] : memref<16x157x128xi32, #tpu.memory_space<hbm>> -> memref<1x157x128xi32, #tpu.memory_space<hbm>>
      %dma_start3A_41 = tpu.memref_squeeze %dma_start3A_40 : memref<1x157x128xi32, #tpu.memory_space<hbm>> -> memref<157x128xi32, #tpu.memory_space<hbm>>
      %dma_start3A_42 = arith.constant 0 : i32
      %dma_start3A_43 = arith.constant 0 : i32
      %dma_start3A_44 = tpu.memref_slice %arg3[%arg1, %dma_start3A_42, %dma_start3A_43] : memref<16x157x128xi32, #tpu.memory_space<hbm>> -> memref<1x157x128xi32, #tpu.memory_space<hbm>>
      %dma_start3A_45 = tpu.memref_squeeze %dma_start3A_44 : memref<1x157x128xi32, #tpu.memory_space<hbm>> -> memref<157x128xi32, #tpu.memory_space<hbm>>
      tpu.enqueue_dma source(%dma_start3A_45 : memref<157x128xi32, #tpu.memory_space<hbm>>) target(%arg8 : memref<157x128xi32, #tpu.memory_space<vmem>>) target_semaphore(%run_scoped3A : memref<!tpu.dma_semaphore, #tpu.memory_space<semaphore_mem>>)
      %dma_wait3A = arith.constant 0 : i32
      %dma_wait3A_46 = arith.constant 0 : i32
      %dma_wait3A_47 = tpu.memref_slice %arg3[%arg1, %dma_wait3A, %dma_wait3A_46] : memref<16x157x128xi32, #tpu.memory_space<hbm>> -> memref<1x157x128xi32, #tpu.memory_space<hbm>>
      %dma_wait3A_48 = tpu.memref_squeeze %dma_wait3A_47 : memref<1x157x128xi32, #tpu.memory_space<hbm>> -> memref<157x128xi32, #tpu.memory_space<hbm>>
      %dma_wait3A_49 = arith.constant 0 : i32
      %dma_wait3A_50 = arith.constant 0 : i32
      %dma_wait3A_51 = tpu.memref_slice %arg3[%arg1, %dma_wait3A_49, %dma_wait3A_50] : memref<16x157x128xi32, #tpu.memory_space<hbm>> -> memref<1x157x128xi32, #tpu.memory_space<hbm>>
      %dma_wait3A_52 = tpu.memref_squeeze %dma_wait3A_51 : memref<1x157x128xi32, #tpu.memory_space<hbm>> -> memref<157x128xi32, #tpu.memory_space<hbm>>
      tpu.wait_dma2 semaphore(%run_scoped3A : memref<!tpu.dma_semaphore, #tpu.memory_space<semaphore_mem>>) src(%dma_wait3A_52 : memref<157x128xi32, #tpu.memory_space<hbm>>) dst(%arg8 : memref<157x128xi32, #tpu.memory_space<vmem>>)
      tpu.yield
    }) : () -> ()
    "tpu.region"() ({
      %run_scoped3A = tpu.sem_alloc : memref<!tpu.dma_semaphore, #tpu.memory_space<semaphore_mem>>
      %dma_start3A_38 = arith.constant 0 : i32
      %dma_start3A_39 = arith.constant 0 : i32
      %dma_start3A_40 = tpu.memref_slice %arg4[%add3A, %dma_start3A_38, %dma_start3A_39] : memref<32x157x128xi32, #tpu.memory_space<hbm>> -> memref<1x157x128xi32, #tpu.memory_space<hbm>>
      %dma_start3A_41 = tpu.memref_squeeze %dma_start3A_40 : memref<1x157x128xi32, #tpu.memory_space<hbm>> -> memref<157x128xi32, #tpu.memory_space<hbm>>
      %dma_start3A_42 = arith.constant 0 : i32
      %dma_start3A_43 = arith.constant 0 : i32
      %dma_start3A_44 = tpu.memref_slice %arg4[%add3A, %dma_start3A_42, %dma_start3A_43] : memref<32x157x128xi32, #tpu.memory_space<hbm>> -> memref<1x157x128xi32, #tpu.memory_space<hbm>>
      %dma_start3A_45 = tpu.memref_squeeze %dma_start3A_44 : memref<1x157x128xi32, #tpu.memory_space<hbm>> -> memref<157x128xi32, #tpu.memory_space<hbm>>
      tpu.enqueue_dma source(%dma_start3A_45 : memref<157x128xi32, #tpu.memory_space<hbm>>) target(%arg9 : memref<157x128xi32, #tpu.memory_space<vmem>>) target_semaphore(%run_scoped3A : memref<!tpu.dma_semaphore, #tpu.memory_space<semaphore_mem>>)
      %dma_wait3A = arith.constant 0 : i32
      %dma_wait3A_46 = arith.constant 0 : i32
      %dma_wait3A_47 = tpu.memref_slice %arg4[%add3A, %dma_wait3A, %dma_wait3A_46] : memref<32x157x128xi32, #tpu.memory_space<hbm>> -> memref<1x157x128xi32, #tpu.memory_space<hbm>>
      %dma_wait3A_48 = tpu.memref_squeeze %dma_wait3A_47 : memref<1x157x128xi32, #tpu.memory_space<hbm>> -> memref<157x128xi32, #tpu.memory_space<hbm>>
      %dma_wait3A_49 = arith.constant 0 : i32
      %dma_wait3A_50 = arith.constant 0 : i32
      %dma_wait3A_51 = tpu.memref_slice %arg4[%add3A, %dma_wait3A_49, %dma_wait3A_50] : memref<32x157x128xi32, #tpu.memory_space<hbm>> -> memref<1x157x128xi32, #tpu.memory_space<hbm>>
      %dma_wait3A_52 = tpu.memref_squeeze %dma_wait3A_51 : memref<1x157x128xi32, #tpu.memory_space<hbm>> -> memref<157x128xi32, #tpu.memory_space<hbm>>
      tpu.wait_dma2 semaphore(%run_scoped3A : memref<!tpu.dma_semaphore, #tpu.memory_space<semaphore_mem>>) src(%dma_wait3A_52 : memref<157x128xi32, #tpu.memory_space<hbm>>) dst(%arg9 : memref<157x128xi32, #tpu.memory_space<vmem>>)
      tpu.yield
    }) : () -> ()
    "tpu.region"() ({
      %run_scoped3A = tpu.sem_alloc : memref<!tpu.dma_semaphore, #tpu.memory_space<semaphore_mem>>
      tpu.enqueue_dma source(%arg5 : memref<64x128xf32, #tpu.memory_space<hbm>>) target(%arg12 : memref<64x128xf32, #tpu.memory_space<vmem>>) target_semaphore(%run_scoped3A : memref<!tpu.dma_semaphore, #tpu.memory_space<semaphore_mem>>)
      tpu.wait_dma2 semaphore(%run_scoped3A : memref<!tpu.dma_semaphore, #tpu.memory_space<semaphore_mem>>) src(%arg5 : memref<64x128xf32, #tpu.memory_space<hbm>>) dst(%arg12 : memref<64x128xf32, #tpu.memory_space<vmem>>)
      tpu.yield
    }) : () -> ()
    %mul3A_1 = arith.constant 320 : i32
    %mul3A_2 = arith.muli %arg1, %mul3A_1 : i32
    %add3A_3 = arith.constant 0 : i32
    %add3A_4 = arith.addi %mul3A_2, %add3A_3 : i32
    "tpu.region"() ({
      %run_scoped3A = tpu.sem_alloc : memref<!tpu.dma_semaphore, #tpu.memory_space<semaphore_mem>>
      %dma_start3A_38 = arith.constant 0 : i32
      %dma_start3A_39 = tpu.memref_slice %arg13[%add3A_4, %dma_start3A_38] : memref<5120x128xf32, #tpu.memory_space<vmem_shared>> -> memref<64x128xf32, #tpu.memory_space<vmem_shared>>
      %dma_start3A_40 = arith.constant 0 : i32
      %dma_start3A_41 = tpu.memref_slice %arg13[%add3A_4, %dma_start3A_40] : memref<5120x128xf32, #tpu.memory_space<vmem_shared>> -> memref<64x128xf32, #tpu.memory_space<vmem_shared>>
      tpu.enqueue_dma source(%arg12 : memref<64x128xf32, #tpu.memory_space<vmem>>) target(%dma_start3A_41 : memref<64x128xf32, #tpu.memory_space<vmem_shared>>) target_semaphore(%run_scoped3A : memref<!tpu.dma_semaphore, #tpu.memory_space<semaphore_mem>>)
      %dma_wait3A = arith.constant 0 : i32
      %dma_wait3A_42 = tpu.memref_slice %arg13[%add3A_4, %dma_wait3A] : memref<5120x128xf32, #tpu.memory_space<vmem_shared>> -> memref<64x128xf32, #tpu.memory_space<vmem_shared>>
      %dma_wait3A_43 = arith.constant 0 : i32
      %dma_wait3A_44 = tpu.memref_slice %arg13[%add3A_4, %dma_wait3A_43] : memref<5120x128xf32, #tpu.memory_space<vmem_shared>> -> memref<64x128xf32, #tpu.memory_space<vmem_shared>>
      tpu.wait_dma2 semaphore(%run_scoped3A : memref<!tpu.dma_semaphore, #tpu.memory_space<semaphore_mem>>) src(%arg12 : memref<64x128xf32, #tpu.memory_space<vmem>>) dst(%dma_wait3A_44 : memref<64x128xf32, #tpu.memory_space<vmem_shared>>)
      tpu.yield
    }) : () -> ()
    %add3A_5 = arith.constant 64 : i32
    %add3A_6 = arith.addi %mul3A_2, %add3A_5 : i32
    "tpu.region"() ({
      %run_scoped3A = tpu.sem_alloc : memref<!tpu.dma_semaphore, #tpu.memory_space<semaphore_mem>>
      %dma_start3A_38 = arith.constant 0 : i32
      %dma_start3A_39 = tpu.memref_slice %arg13[%add3A_6, %dma_start3A_38] : memref<5120x128xf32, #tpu.memory_space<vmem_shared>> -> memref<64x128xf32, #tpu.memory_space<vmem_shared>>
      %dma_start3A_40 = arith.constant 0 : i32
      %dma_start3A_41 = tpu.memref_slice %arg13[%add3A_6, %dma_start3A_40] : memref<5120x128xf32, #tpu.memory_space<vmem_shared>> -> memref<64x128xf32, #tpu.memory_space<vmem_shared>>
      tpu.enqueue_dma source(%arg12 : memref<64x128xf32, #tpu.memory_space<vmem>>) target(%dma_start3A_41 : memref<64x128xf32, #tpu.memory_space<vmem_shared>>) target_semaphore(%run_scoped3A : memref<!tpu.dma_semaphore, #tpu.memory_space<semaphore_mem>>)
      %dma_wait3A = arith.constant 0 : i32
      %dma_wait3A_42 = tpu.memref_slice %arg13[%add3A_6, %dma_wait3A] : memref<5120x128xf32, #tpu.memory_space<vmem_shared>> -> memref<64x128xf32, #tpu.memory_space<vmem_shared>>
      %dma_wait3A_43 = arith.constant 0 : i32
      %dma_wait3A_44 = tpu.memref_slice %arg13[%add3A_6, %dma_wait3A_43] : memref<5120x128xf32, #tpu.memory_space<vmem_shared>> -> memref<64x128xf32, #tpu.memory_space<vmem_shared>>
      tpu.wait_dma2 semaphore(%run_scoped3A : memref<!tpu.dma_semaphore, #tpu.memory_space<semaphore_mem>>) src(%arg12 : memref<64x128xf32, #tpu.memory_space<vmem>>) dst(%dma_wait3A_44 : memref<64x128xf32, #tpu.memory_space<vmem_shared>>)
      tpu.yield
    }) : () -> ()
    %add3A_7 = arith.constant 128 : i32
    %add3A_8 = arith.addi %mul3A_2, %add3A_7 : i32
    "tpu.region"() ({
      %run_scoped3A = tpu.sem_alloc : memref<!tpu.dma_semaphore, #tpu.memory_space<semaphore_mem>>
      %dma_start3A_38 = arith.constant 0 : i32
      %dma_start3A_39 = tpu.memref_slice %arg13[%add3A_8, %dma_start3A_38] : memref<5120x128xf32, #tpu.memory_space<vmem_shared>> -> memref<64x128xf32, #tpu.memory_space<vmem_shared>>
      %dma_start3A_40 = arith.constant 0 : i32
      %dma_start3A_41 = tpu.memref_slice %arg13[%add3A_8, %dma_start3A_40] : memref<5120x128xf32, #tpu.memory_space<vmem_shared>> -> memref<64x128xf32, #tpu.memory_space<vmem_shared>>
      tpu.enqueue_dma source(%arg12 : memref<64x128xf32, #tpu.memory_space<vmem>>) target(%dma_start3A_41 : memref<64x128xf32, #tpu.memory_space<vmem_shared>>) target_semaphore(%run_scoped3A : memref<!tpu.dma_semaphore, #tpu.memory_space<semaphore_mem>>)
      %dma_wait3A = arith.constant 0 : i32
      %dma_wait3A_42 = tpu.memref_slice %arg13[%add3A_8, %dma_wait3A] : memref<5120x128xf32, #tpu.memory_space<vmem_shared>> -> memref<64x128xf32, #tpu.memory_space<vmem_shared>>
      %dma_wait3A_43 = arith.constant 0 : i32
      %dma_wait3A_44 = tpu.memref_slice %arg13[%add3A_8, %dma_wait3A_43] : memref<5120x128xf32, #tpu.memory_space<vmem_shared>> -> memref<64x128xf32, #tpu.memory_space<vmem_shared>>
      tpu.wait_dma2 semaphore(%run_scoped3A : memref<!tpu.dma_semaphore, #tpu.memory_space<semaphore_mem>>) src(%arg12 : memref<64x128xf32, #tpu.memory_space<vmem>>) dst(%dma_wait3A_44 : memref<64x128xf32, #tpu.memory_space<vmem_shared>>)
      tpu.yield
    }) : () -> ()
    %add3A_9 = arith.constant 192 : i32
    %add3A_10 = arith.addi %mul3A_2, %add3A_9 : i32
    "tpu.region"() ({
      %run_scoped3A = tpu.sem_alloc : memref<!tpu.dma_semaphore, #tpu.memory_space<semaphore_mem>>
      %dma_start3A_38 = arith.constant 0 : i32
      %dma_start3A_39 = tpu.memref_slice %arg13[%add3A_10, %dma_start3A_38] : memref<5120x128xf32, #tpu.memory_space<vmem_shared>> -> memref<64x128xf32, #tpu.memory_space<vmem_shared>>
      %dma_start3A_40 = arith.constant 0 : i32
      %dma_start3A_41 = tpu.memref_slice %arg13[%add3A_10, %dma_start3A_40] : memref<5120x128xf32, #tpu.memory_space<vmem_shared>> -> memref<64x128xf32, #tpu.memory_space<vmem_shared>>
      tpu.enqueue_dma source(%arg12 : memref<64x128xf32, #tpu.memory_space<vmem>>) target(%dma_start3A_41 : memref<64x128xf32, #tpu.memory_space<vmem_shared>>) target_semaphore(%run_scoped3A : memref<!tpu.dma_semaphore, #tpu.memory_space<semaphore_mem>>)
      %dma_wait3A = arith.constant 0 : i32
      %dma_wait3A_42 = tpu.memref_slice %arg13[%add3A_10, %dma_wait3A] : memref<5120x128xf32, #tpu.memory_space<vmem_shared>> -> memref<64x128xf32, #tpu.memory_space<vmem_shared>>
      %dma_wait3A_43 = arith.constant 0 : i32
      %dma_wait3A_44 = tpu.memref_slice %arg13[%add3A_10, %dma_wait3A_43] : memref<5120x128xf32, #tpu.memory_space<vmem_shared>> -> memref<64x128xf32, #tpu.memory_space<vmem_shared>>
      tpu.wait_dma2 semaphore(%run_scoped3A : memref<!tpu.dma_semaphore, #tpu.memory_space<semaphore_mem>>) src(%arg12 : memref<64x128xf32, #tpu.memory_space<vmem>>) dst(%dma_wait3A_44 : memref<64x128xf32, #tpu.memory_space<vmem_shared>>)
      tpu.yield
    }) : () -> ()
    %add3A_11 = arith.constant 256 : i32
    %add3A_12 = arith.addi %mul3A_2, %add3A_11 : i32
    "tpu.region"() ({
      %run_scoped3A = tpu.sem_alloc : memref<!tpu.dma_semaphore, #tpu.memory_space<semaphore_mem>>
      %dma_start3A_38 = arith.constant 0 : i32
      %dma_start3A_39 = tpu.memref_slice %arg13[%add3A_12, %dma_start3A_38] : memref<5120x128xf32, #tpu.memory_space<vmem_shared>> -> memref<64x128xf32, #tpu.memory_space<vmem_shared>>
      %dma_start3A_40 = arith.constant 0 : i32
      %dma_start3A_41 = tpu.memref_slice %arg13[%add3A_12, %dma_start3A_40] : memref<5120x128xf32, #tpu.memory_space<vmem_shared>> -> memref<64x128xf32, #tpu.memory_space<vmem_shared>>
      tpu.enqueue_dma source(%arg12 : memref<64x128xf32, #tpu.memory_space<vmem>>) target(%dma_start3A_41 : memref<64x128xf32, #tpu.memory_space<vmem_shared>>) target_semaphore(%run_scoped3A : memref<!tpu.dma_semaphore, #tpu.memory_space<semaphore_mem>>)
      %dma_wait3A = arith.constant 0 : i32
      %dma_wait3A_42 = tpu.memref_slice %arg13[%add3A_12, %dma_wait3A] : memref<5120x128xf32, #tpu.memory_space<vmem_shared>> -> memref<64x128xf32, #tpu.memory_space<vmem_shared>>
      %dma_wait3A_43 = arith.constant 0 : i32
      %dma_wait3A_44 = tpu.memref_slice %arg13[%add3A_12, %dma_wait3A_43] : memref<5120x128xf32, #tpu.memory_space<vmem_shared>> -> memref<64x128xf32, #tpu.memory_space<vmem_shared>>
      tpu.wait_dma2 semaphore(%run_scoped3A : memref<!tpu.dma_semaphore, #tpu.memory_space<semaphore_mem>>) src(%arg12 : memref<64x128xf32, #tpu.memory_space<vmem>>) dst(%dma_wait3A_44 : memref<64x128xf32, #tpu.memory_space<vmem_shared>>)
      tpu.yield
    }) : () -> ()
    %barrier3A = arith.constant 0 : index
    tpu.barrier barrier_id(%barrier3A)
    %dma_start3A = arith.constant 0 : i32
    %dma_start3A_13 = arith.constant 0 : i32
    %dma_start3A_14 = tpu.memref_slice %arg8[%dma_start3A, %dma_start3A_13] : memref<157x128xi32, #tpu.memory_space<vmem>> -> memref<1x128xi32, #tpu.memory_space<vmem>>
    %dma_start3A_15 = tpu.memref_squeeze %dma_start3A_14 : memref<1x128xi32, #tpu.memory_space<vmem>> -> memref<128xi32, #tpu.memory_space<vmem>>
    %dma_start3A_16 = arith.constant 0 : i32
    %dma_start3A_17 = arith.constant 0 : i32
    %dma_start3A_18 = tpu.memref_slice %arg2[%dma_start3A_16, %dma_start3A_17] : memref<10000x128xf32, #tpu.memory_space<hbm>> -> memref<10000x128xf32, #tpu.memory_space<hbm>>
    tpu.enqueue_indirect_dma source(%dma_start3A_18 : memref<10000x128xf32, #tpu.memory_space<hbm>>) target(%arg10 : memref<128x128xf32, #tpu.memory_space<vmem>>) offsets(%dma_start3A_15 : memref<128xi32, #tpu.memory_space<vmem>>) semaphore(%arg14 : memref<!tpu.dma_semaphore, #tpu.memory_space<semaphore_mem>>)
    %dma_start3A_19 = arith.constant 1 : i32
    %dma_start3A_20 = arith.constant 0 : i32
    %dma_start3A_21 = tpu.memref_slice %arg8[%dma_start3A_19, %dma_start3A_20] : memref<157x128xi32, #tpu.memory_space<vmem>> -> memref<1x128xi32, #tpu.memory_space<vmem>>
    %dma_start3A_22 = tpu.memref_squeeze %dma_start3A_21 : memref<1x128xi32, #tpu.memory_space<vmem>> -> memref<128xi32, #tpu.memory_space<vmem>>
    %dma_start3A_23 = arith.constant 0 : i32
    %dma_start3A_24 = arith.constant 0 : i32
    %dma_start3A_25 = tpu.memref_slice %arg2[%dma_start3A_23, %dma_start3A_24] : memref<10000x128xf32, #tpu.memory_space<hbm>> -> memref<10000x128xf32, #tpu.memory_space<hbm>>
    tpu.enqueue_indirect_dma source(%dma_start3A_25 : memref<10000x128xf32, #tpu.memory_space<hbm>>) target(%arg11 : memref<128x128xf32, #tpu.memory_space<vmem>>) offsets(%dma_start3A_22 : memref<128xi32, #tpu.memory_space<vmem>>) semaphore(%arg15 : memref<!tpu.dma_semaphore, #tpu.memory_space<semaphore_mem>>)
    %scan3A = arith.constant 0 : i32
    %scan3A_26 = arith.constant 79 : i32
    %scan3A_27 = arith.addi %scan3A, %scan3A_26 : i32
    %scan3A_28 = arith.constant 1 : i32
    scf.for %scan3A_38 = %scan3A to %scan3A_27 step %scan3A_28  : i32 {
      %mul3A_39 = arith.constant 2 : i32
      %mul3A_40 = arith.muli %scan3A_38, %mul3A_39 : i32
      %add3A_41 = arith.constant 0 : i32
      %add3A_42 = arith.addi %add3A_41, %mul3A_40 : i32
      %dma_wait3A = arith.constant 0 : i32
      %dma_wait3A_43 = tpu.memref_slice %arg8[%add3A_42, %dma_wait3A] : memref<157x128xi32, #tpu.memory_space<vmem>> -> memref<1x128xi32, #tpu.memory_space<vmem>>
      %dma_wait3A_44 = tpu.memref_squeeze %dma_wait3A_43 : memref<1x128xi32, #tpu.memory_space<vmem>> -> memref<128xi32, #tpu.memory_space<vmem>>
      %dma_wait3A_45 = arith.constant 0 : i32
      %dma_wait3A_46 = arith.constant 0 : i32
      %dma_wait3A_47 = tpu.memref_slice %arg2[%dma_wait3A_45, %dma_wait3A_46] : memref<10000x128xf32, #tpu.memory_space<hbm>> -> memref<10000x128xf32, #tpu.memory_space<hbm>>
      tpu.wait_indirect_dma semaphore(%arg14 : memref<!tpu.dma_semaphore, #tpu.memory_space<semaphore_mem>>) src(%dma_wait3A_47 : memref<10000x128xf32, #tpu.memory_space<hbm>>) dst(%arg10 : memref<128x128xf32, #tpu.memory_space<vmem>>)
      "tpu.region"() ({
        %run_scoped3A = tpu.sem_alloc : memref<!tpu.dma_semaphore, #tpu.memory_space<semaphore_mem>>
        %dma_start3A_61 = arith.constant 0 : i32
        %dma_start3A_62 = tpu.memref_slice %arg9[%add3A_42, %dma_start3A_61] : memref<157x128xi32, #tpu.memory_space<vmem>> -> memref<1x128xi32, #tpu.memory_space<vmem>>
        %dma_start3A_63 = tpu.memref_squeeze %dma_start3A_62 : memref<1x128xi32, #tpu.memory_space<vmem>> -> memref<128xi32, #tpu.memory_space<vmem>>
        %dma_start3A_64 = arith.constant 0 : i32
        %dma_start3A_65 = arith.constant 0 : i32
        %dma_start3A_66 = tpu.memref_slice %arg13[%dma_start3A_64, %dma_start3A_65] : memref<5120x128xf32, #tpu.memory_space<vmem_shared>> -> memref<5120x128xf32, #tpu.memory_space<vmem_shared>>
        tpu.enqueue_indirect_dma source(%arg10 : memref<128x128xf32, #tpu.memory_space<vmem>>) target(%dma_start3A_66 : memref<5120x128xf32, #tpu.memory_space<vmem_shared>>) offsets(%dma_start3A_63 : memref<128xi32, #tpu.memory_space<vmem>>) semaphore(%run_scoped3A : memref<!tpu.dma_semaphore, #tpu.memory_space<semaphore_mem>>) {add = true}
        %dma_wait3A_67 = arith.constant 0 : i32
        %dma_wait3A_68 = tpu.memref_slice %arg9[%add3A_42, %dma_wait3A_67] : memref<157x128xi32, #tpu.memory_space<vmem>> -> memref<1x128xi32, #tpu.memory_space<vmem>>
        %dma_wait3A_69 = tpu.memref_squeeze %dma_wait3A_68 : memref<1x128xi32, #tpu.memory_space<vmem>> -> memref<128xi32, #tpu.memory_space<vmem>>
        %dma_wait3A_70 = arith.constant 0 : i32
        %dma_wait3A_71 = arith.constant 0 : i32
        %dma_wait3A_72 = tpu.memref_slice %arg13[%dma_wait3A_70, %dma_wait3A_71] : memref<5120x128xf32, #tpu.memory_space<vmem_shared>> -> memref<5120x128xf32, #tpu.memory_space<vmem_shared>>
        tpu.wait_indirect_dma semaphore(%run_scoped3A : memref<!tpu.dma_semaphore, #tpu.memory_space<semaphore_mem>>) src(%arg10 : memref<128x128xf32, #tpu.memory_space<vmem>>) dst(%dma_wait3A_72 : memref<5120x128xf32, #tpu.memory_space<vmem_shared>>)
        tpu.yield
      }) : () -> ()
      %add3A_48 = arith.constant 2 : i32
      %add3A_49 = arith.addi %add3A_42, %add3A_48 : i32
      %lt3A = arith.constant 157 : i32
      %lt3A_50 = arith.cmpi slt, %add3A_49, %lt3A : i32
      %convert_element_type3A_51 = arith.extui %lt3A_50 : i1 to i32
      %cond3A_52 = arith.constant 0 : i32
      %cond3A_53 = arith.cmpi ne, %convert_element_type3A_51, %cond3A_52 : i32
      scf.if %cond3A_53 {
        %add3A_61 = arith.constant 2 : i32
        %add3A_62 = arith.addi %add3A_42, %add3A_61 : i32
        %dma_start3A_63 = arith.constant 0 : i32
        %dma_start3A_64 = tpu.memref_slice %arg8[%add3A_62, %dma_start3A_63] : memref<157x128xi32, #tpu.memory_space<vmem>> -> memref<1x128xi32, #tpu.memory_space<vmem>>
        %dma_start3A_65 = tpu.memref_squeeze %dma_start3A_64 : memref<1x128xi32, #tpu.memory_space<vmem>> -> memref<128xi32, #tpu.memory_space<vmem>>
        %dma_start3A_66 = arith.constant 0 : i32
        %dma_start3A_67 = arith.constant 0 : i32
        %dma_start3A_68 = tpu.memref_slice %arg2[%dma_start3A_66, %dma_start3A_67] : memref<10000x128xf32, #tpu.memory_space<hbm>> -> memref<10000x128xf32, #tpu.memory_space<hbm>>
        tpu.enqueue_indirect_dma source(%dma_start3A_68 : memref<10000x128xf32, #tpu.memory_space<hbm>>) target(%arg10 : memref<128x128xf32, #tpu.memory_space<vmem>>) offsets(%dma_start3A_65 : memref<128xi32, #tpu.memory_space<vmem>>) semaphore(%arg14 : memref<!tpu.dma_semaphore, #tpu.memory_space<semaphore_mem>>)
      } else {
      }
      %add3A_54 = arith.constant 1 : i32
      %add3A_55 = arith.addi %add3A_42, %add3A_54 : i32
      %lt3A_56 = arith.constant 157 : i32
      %lt3A_57 = arith.cmpi slt, %add3A_55, %lt3A_56 : i32
      %convert_element_type3A_58 = arith.extui %lt3A_57 : i1 to i32
      %cond3A_59 = arith.constant 0 : i32
      %cond3A_60 = arith.cmpi ne, %convert_element_type3A_58, %cond3A_59 : i32
      scf.if %cond3A_60 {
        %add3A_61 = arith.constant 1 : i32
        %add3A_62 = arith.addi %add3A_42, %add3A_61 : i32
        %dma_wait3A_63 = arith.constant 0 : i32
        %dma_wait3A_64 = tpu.memref_slice %arg8[%add3A_62, %dma_wait3A_63] : memref<157x128xi32, #tpu.memory_space<vmem>> -> memref<1x128xi32, #tpu.memory_space<vmem>>
        %dma_wait3A_65 = tpu.memref_squeeze %dma_wait3A_64 : memref<1x128xi32, #tpu.memory_space<vmem>> -> memref<128xi32, #tpu.memory_space<vmem>>
        %dma_wait3A_66 = arith.constant 0 : i32
        %dma_wait3A_67 = arith.constant 0 : i32
        %dma_wait3A_68 = tpu.memref_slice %arg2[%dma_wait3A_66, %dma_wait3A_67] : memref<10000x128xf32, #tpu.memory_space<hbm>> -> memref<10000x128xf32, #tpu.memory_space<hbm>>
        tpu.wait_indirect_dma semaphore(%arg15 : memref<!tpu.dma_semaphore, #tpu.memory_space<semaphore_mem>>) src(%dma_wait3A_68 : memref<10000x128xf32, #tpu.memory_space<hbm>>) dst(%arg11 : memref<128x128xf32, #tpu.memory_space<vmem>>)
        %add3A_69 = arith.constant 1 : i32
        %add3A_70 = arith.addi %add3A_42, %add3A_69 : i32
        "tpu.region"() ({
          %run_scoped3A = tpu.sem_alloc : memref<!tpu.dma_semaphore, #tpu.memory_space<semaphore_mem>>
          %dma_start3A_78 = arith.constant 0 : i32
          %dma_start3A_79 = tpu.memref_slice %arg9[%add3A_70, %dma_start3A_78] : memref<157x128xi32, #tpu.memory_space<vmem>> -> memref<1x128xi32, #tpu.memory_space<vmem>>
          %dma_start3A_80 = tpu.memref_squeeze %dma_start3A_79 : memref<1x128xi32, #tpu.memory_space<vmem>> -> memref<128xi32, #tpu.memory_space<vmem>>
          %dma_start3A_81 = arith.constant 0 : i32
          %dma_start3A_82 = arith.constant 0 : i32
          %dma_start3A_83 = tpu.memref_slice %arg13[%dma_start3A_81, %dma_start3A_82] : memref<5120x128xf32, #tpu.memory_space<vmem_shared>> -> memref<5120x128xf32, #tpu.memory_space<vmem_shared>>
          tpu.enqueue_indirect_dma source(%arg11 : memref<128x128xf32, #tpu.memory_space<vmem>>) target(%dma_start3A_83 : memref<5120x128xf32, #tpu.memory_space<vmem_shared>>) offsets(%dma_start3A_80 : memref<128xi32, #tpu.memory_space<vmem>>) semaphore(%run_scoped3A : memref<!tpu.dma_semaphore, #tpu.memory_space<semaphore_mem>>) {add = true}
          %dma_wait3A_84 = arith.constant 0 : i32
          %dma_wait3A_85 = tpu.memref_slice %arg9[%add3A_70, %dma_wait3A_84] : memref<157x128xi32, #tpu.memory_space<vmem>> -> memref<1x128xi32, #tpu.memory_space<vmem>>
          %dma_wait3A_86 = tpu.memref_squeeze %dma_wait3A_85 : memref<1x128xi32, #tpu.memory_space<vmem>> -> memref<128xi32, #tpu.memory_space<vmem>>
          %dma_wait3A_87 = arith.constant 0 : i32
          %dma_wait3A_88 = arith.constant 0 : i32
          %dma_wait3A_89 = tpu.memref_slice %arg13[%dma_wait3A_87, %dma_wait3A_88] : memref<5120x128xf32, #tpu.memory_space<vmem_shared>> -> memref<5120x128xf32, #tpu.memory_space<vmem_shared>>
          tpu.wait_indirect_dma semaphore(%run_scoped3A : memref<!tpu.dma_semaphore, #tpu.memory_space<semaphore_mem>>) src(%arg11 : memref<128x128xf32, #tpu.memory_space<vmem>>) dst(%dma_wait3A_89 : memref<5120x128xf32, #tpu.memory_space<vmem_shared>>)
          tpu.yield
        }) : () -> ()
        %add3A_71 = arith.constant 3 : i32
        %add3A_72 = arith.addi %add3A_42, %add3A_71 : i32
        %lt3A_73 = arith.constant 157 : i32
        %lt3A_74 = arith.cmpi slt, %add3A_72, %lt3A_73 : i32
        %convert_element_type3A_75 = arith.extui %lt3A_74 : i1 to i32
        %cond3A_76 = arith.constant 0 : i32
        %cond3A_77 = arith.cmpi ne, %convert_element_type3A_75, %cond3A_76 : i32
        scf.if %cond3A_77 {
          %add3A_78 = arith.constant 3 : i32
          %add3A_79 = arith.addi %add3A_42, %add3A_78 : i32
          %dma_start3A_80 = arith.constant 0 : i32
          %dma_start3A_81 = tpu.memref_slice %arg8[%add3A_79, %dma_start3A_80] : memref<157x128xi32, #tpu.memory_space<vmem>> -> memref<1x128xi32, #tpu.memory_space<vmem>>
          %dma_start3A_82 = tpu.memref_squeeze %dma_start3A_81 : memref<1x128xi32, #tpu.memory_space<vmem>> -> memref<128xi32, #tpu.memory_space<vmem>>
          %dma_start3A_83 = arith.constant 0 : i32
          %dma_start3A_84 = arith.constant 0 : i32
          %dma_start3A_85 = tpu.memref_slice %arg2[%dma_start3A_83, %dma_start3A_84] : memref<10000x128xf32, #tpu.memory_space<hbm>> -> memref<10000x128xf32, #tpu.memory_space<hbm>>
          tpu.enqueue_indirect_dma source(%dma_start3A_85 : memref<10000x128xf32, #tpu.memory_space<hbm>>) target(%arg11 : memref<128x128xf32, #tpu.memory_space<vmem>>) offsets(%dma_start3A_82 : memref<128xi32, #tpu.memory_space<vmem>>) semaphore(%arg15 : memref<!tpu.dma_semaphore, #tpu.memory_space<semaphore_mem>>)
        } else {
        }
      } else {
      }
    }
    %scan3A_29 = arith.constant 79 : i32
    %barrier3A_30 = arith.constant 0 : index
    tpu.barrier barrier_id(%barrier3A_30)
    %eq3A = arith.constant 0 : i32
    %eq3A_31 = arith.cmpi eq, %arg0, %eq3A : i32
    %convert_element_type3A = arith.extui %eq3A_31 : i1 to i32
    %cond3A = arith.constant 0 : i32
    %cond3A_32 = arith.cmpi ne, %convert_element_type3A, %cond3A : i32
    scf.if %cond3A_32 {
      "tpu.region"() ({
        %run_scoped3A = tpu.sem_alloc : memref<!tpu.dma_semaphore, #tpu.memory_space<semaphore_mem>>
        %dma_start3A_38 = arith.constant 0 : i32
        %dma_start3A_39 = tpu.memref_slice %arg6[%mul3A_2, %dma_start3A_38] : memref<5120x128xf32, #tpu.memory_space<hbm>> -> memref<320x128xf32, #tpu.memory_space<hbm>>
        %dma_start3A_40 = arith.constant 0 : i32
        %dma_start3A_41 = tpu.memref_slice %arg13[%mul3A_2, %dma_start3A_40] : memref<5120x128xf32, #tpu.memory_space<vmem_shared>> -> memref<320x128xf32, #tpu.memory_space<vmem_shared>>
        tpu.enqueue_dma source(%dma_start3A_41 : memref<320x128xf32, #tpu.memory_space<vmem_shared>>) target(%dma_start3A_39 : memref<320x128xf32, #tpu.memory_space<hbm>>) target_semaphore(%run_scoped3A : memref<!tpu.dma_semaphore, #tpu.memory_space<semaphore_mem>>)
        %dma_wait3A = arith.constant 0 : i32
        %dma_wait3A_42 = tpu.memref_slice %arg6[%mul3A_2, %dma_wait3A] : memref<5120x128xf32, #tpu.memory_space<hbm>> -> memref<320x128xf32, #tpu.memory_space<hbm>>
        %dma_wait3A_43 = arith.constant 0 : i32
        %dma_wait3A_44 = tpu.memref_slice %arg13[%mul3A_2, %dma_wait3A_43] : memref<5120x128xf32, #tpu.memory_space<vmem_shared>> -> memref<320x128xf32, #tpu.memory_space<vmem_shared>>
        tpu.wait_dma2 semaphore(%run_scoped3A : memref<!tpu.dma_semaphore, #tpu.memory_space<semaphore_mem>>) src(%dma_wait3A_44 : memref<320x128xf32, #tpu.memory_space<vmem_shared>>) dst(%dma_wait3A_42 : memref<320x128xf32, #tpu.memory_space<hbm>>)
        tpu.yield
      }) : () -> ()
    } else {
    }
    %eq3A_33 = arith.constant 1 : i32
    %eq3A_34 = arith.cmpi eq, %arg0, %eq3A_33 : i32
    %convert_element_type3A_35 = arith.extui %eq3A_34 : i1 to i32
    %cond3A_36 = arith.constant 0 : i32
    %cond3A_37 = arith.cmpi ne, %convert_element_type3A_35, %cond3A_36 : i32
    scf.if %cond3A_37 {
      "tpu.region"() ({
        %run_scoped3A = tpu.sem_alloc : memref<!tpu.dma_semaphore, #tpu.memory_space<semaphore_mem>>
        %dma_start3A_38 = arith.constant 0 : i32
        %dma_start3A_39 = tpu.memref_slice %arg7[%mul3A_2, %dma_start3A_38] : memref<5120x128xf32, #tpu.memory_space<hbm>> -> memref<320x128xf32, #tpu.memory_space<hbm>>
        %dma_start3A_40 = arith.constant 0 : i32
        %dma_start3A_41 = tpu.memref_slice %arg13[%mul3A_2, %dma_start3A_40] : memref<5120x128xf32, #tpu.memory_space<vmem_shared>> -> memref<320x128xf32, #tpu.memory_space<vmem_shared>>
        tpu.enqueue_dma source(%dma_start3A_41 : memref<320x128xf32, #tpu.memory_space<vmem_shared>>) target(%dma_start3A_39 : memref<320x128xf32, #tpu.memory_space<hbm>>) target_semaphore(%run_scoped3A : memref<!tpu.dma_semaphore, #tpu.memory_space<semaphore_mem>>)
        %dma_wait3A = arith.constant 0 : i32
        %dma_wait3A_42 = tpu.memref_slice %arg7[%mul3A_2, %dma_wait3A] : memref<5120x128xf32, #tpu.memory_space<hbm>> -> memref<320x128xf32, #tpu.memory_space<hbm>>
        %dma_wait3A_43 = arith.constant 0 : i32
        %dma_wait3A_44 = tpu.memref_slice %arg13[%mul3A_2, %dma_wait3A_43] : memref<5120x128xf32, #tpu.memory_space<vmem_shared>> -> memref<320x128xf32, #tpu.memory_space<vmem_shared>>
        tpu.wait_dma2 semaphore(%run_scoped3A : memref<!tpu.dma_semaphore, #tpu.memory_space<semaphore_mem>>) src(%dma_wait3A_44 : memref<320x128xf32, #tpu.memory_space<vmem_shared>>) dst(%dma_wait3A_42 : memref<320x128xf32, #tpu.memory_space<hbm>>)
        tpu.yield
      }) : () -> ()
    } else {
    }
    return
  }
}

#map = affine_map<(d0, d1) -> (0, 0)>
#map1 = affine_map<(d0, d1) -> (0, 0, 0)>
module attributes {stable_mosaic.version = 14 : i64} {
  func.func @_sc_scatter_body(%arg0: i32, %arg1: i32, %arg2: memref<10000x128xf32, #tpu.memory_space<hbm>>, %arg3: memref<16x157x128xi32, #tpu.memory_space<hbm>>, %arg4: memref<32x157x128xi32, #tpu.memory_space<hbm>>, %arg5: memref<64x128xf32, #tpu.memory_space<hbm>>, %arg6: memref<5120x128xf32, #tpu.memory_space<hbm>>, %arg7: memref<5120x128xf32, #tpu.memory_space<hbm>>, %arg8: memref<157x128xi32, #tpu.memory_space<vmem>>, %arg9: memref<157x128xi32, #tpu.memory_space<vmem>>, %arg10: memref<128x128xf32, #tpu.memory_space<vmem>>, %arg11: memref<128x128xf32, #tpu.memory_space<vmem>>, %arg12: memref<64x128xf32, #tpu.memory_space<vmem>>, %arg13: memref<5120x128xf32, #tpu.memory_space<vmem_shared>>, %arg14: memref<!tpu.dma_semaphore, #tpu.memory_space<semaphore_mem>>, %arg15: memref<!tpu.dma_semaphore, #tpu.memory_space<semaphore_mem>>) attributes {dimension_semantics = [#tpu.dimension_semantics<core_parallel>, #tpu.dimension_semantics<subcore_parallel>], iteration_bounds = array<i64: 2, 16>, scalar_prefetch = 0 : i64, scratch_operands = 8 : i64, tpu.core_type = #tpu.core_type<sc_vector_subcore>, window_params = [{transform_indices = #map}, {transform_indices = #map1}, {transform_indices = #map1}, {transform_indices = #map}, {transform_indices = #map}, {transform_indices = #map}]} {
    %mul3A = arith.constant 16 : i32
    %mul3A_0 = arith.muli %arg0, %mul3A : i32
    %add3A = arith.addi %mul3A_0, %arg1 : i32
    "tpu.region"() ({
      %run_scoped3A = tpu.sem_alloc : memref<!tpu.dma_semaphore, #tpu.memory_space<semaphore_mem>>
      %dma_start3A_38 = arith.constant 0 : i32
      %dma_start3A_39 = arith.constant 0 : i32
      %dma_start3A_40 = tpu.memref_slice %arg3[%arg1, %dma_start3A_38, %dma_start3A_39] : memref<16x157x128xi32, #tpu.memory_space<hbm>> -> memref<1x157x128xi32, #tpu.memory_space<hbm>>
      %dma_start3A_41 = tpu.memref_squeeze %dma_start3A_40 : memref<1x157x128xi32, #tpu.memory_space<hbm>> -> memref<157x128xi32, #tpu.memory_space<hbm>>
      %dma_start3A_42 = arith.constant 0 : i32
      %dma_start3A_43 = arith.constant 0 : i32
      %dma_start3A_44 = tpu.memref_slice %arg3[%arg1, %dma_start3A_42, %dma_start3A_43] : memref<16x157x128xi32, #tpu.memory_space<hbm>> -> memref<1x157x128xi32, #tpu.memory_space<hbm>>
      %dma_start3A_45 = tpu.memref_squeeze %dma_start3A_44 : memref<1x157x128xi32, #tpu.memory_space<hbm>> -> memref<157x128xi32, #tpu.memory_space<hbm>>
      tpu.enqueue_dma source(%dma_start3A_45 : memref<157x128xi32, #tpu.memory_space<hbm>>) target(%arg8 : memref<157x128xi32, #tpu.memory_space<vmem>>) target_semaphore(%run_scoped3A : memref<!tpu.dma_semaphore, #tpu.memory_space<semaphore_mem>>)
      %dma_wait3A = arith.constant 0 : i32
      %dma_wait3A_46 = arith.constant 0 : i32
      %dma_wait3A_47 = tpu.memref_slice %arg3[%arg1, %dma_wait3A, %dma_wait3A_46] : memref<16x157x128xi32, #tpu.memory_space<hbm>> -> memref<1x157x128xi32, #tpu.memory_space<hbm>>
      %dma_wait3A_48 = tpu.memref_squeeze %dma_wait3A_47 : memref<1x157x128xi32, #tpu.memory_space<hbm>> -> memref<157x128xi32, #tpu.memory_space<hbm>>
      %dma_wait3A_49 = arith.constant 0 : i32
      %dma_wait3A_50 = arith.constant 0 : i32
      %dma_wait3A_51 = tpu.memref_slice %arg3[%arg1, %dma_wait3A_49, %dma_wait3A_50] : memref<16x157x128xi32, #tpu.memory_space<hbm>> -> memref<1x157x128xi32, #tpu.memory_space<hbm>>
      %dma_wait3A_52 = tpu.memref_squeeze %dma_wait3A_51 : memref<1x157x128xi32, #tpu.memory_space<hbm>> -> memref<157x128xi32, #tpu.memory_space<hbm>>
      tpu.wait_dma2 semaphore(%run_scoped3A : memref<!tpu.dma_semaphore, #tpu.memory_space<semaphore_mem>>) src(%dma_wait3A_52 : memref<157x128xi32, #tpu.memory_space<hbm>>) dst(%arg8 : memref<157x128xi32, #tpu.memory_space<vmem>>)
      tpu.yield
    }) : () -> ()
    "tpu.region"() ({
      %run_scoped3A = tpu.sem_alloc : memref<!tpu.dma_semaphore, #tpu.memory_space<semaphore_mem>>
      %dma_start3A_38 = arith.constant 0 : i32
      %dma_start3A_39 = arith.constant 0 : i32
      %dma_start3A_40 = tpu.memref_slice %arg4[%add3A, %dma_start3A_38, %dma_start3A_39] : memref<32x157x128xi32, #tpu.memory_space<hbm>> -> memref<1x157x128xi32, #tpu.memory_space<hbm>>
      %dma_start3A_41 = tpu.memref_squeeze %dma_start3A_40 : memref<1x157x128xi32, #tpu.memory_space<hbm>> -> memref<157x128xi32, #tpu.memory_space<hbm>>
      %dma_start3A_42 = arith.constant 0 : i32
      %dma_start3A_43 = arith.constant 0 : i32
      %dma_start3A_44 = tpu.memref_slice %arg4[%add3A, %dma_start3A_42, %dma_start3A_43] : memref<32x157x128xi32, #tpu.memory_space<hbm>> -> memref<1x157x128xi32, #tpu.memory_space<hbm>>
      %dma_start3A_45 = tpu.memref_squeeze %dma_start3A_44 : memref<1x157x128xi32, #tpu.memory_space<hbm>> -> memref<157x128xi32, #tpu.memory_space<hbm>>
      tpu.enqueue_dma source(%dma_start3A_45 : memref<157x128xi32, #tpu.memory_space<hbm>>) target(%arg9 : memref<157x128xi32, #tpu.memory_space<vmem>>) target_semaphore(%run_scoped3A : memref<!tpu.dma_semaphore, #tpu.memory_space<semaphore_mem>>)
      %dma_wait3A = arith.constant 0 : i32
      %dma_wait3A_46 = arith.constant 0 : i32
      %dma_wait3A_47 = tpu.memref_slice %arg4[%add3A, %dma_wait3A, %dma_wait3A_46] : memref<32x157x128xi32, #tpu.memory_space<hbm>> -> memref<1x157x128xi32, #tpu.memory_space<hbm>>
      %dma_wait3A_48 = tpu.memref_squeeze %dma_wait3A_47 : memref<1x157x128xi32, #tpu.memory_space<hbm>> -> memref<157x128xi32, #tpu.memory_space<hbm>>
      %dma_wait3A_49 = arith.constant 0 : i32
      %dma_wait3A_50 = arith.constant 0 : i32
      %dma_wait3A_51 = tpu.memref_slice %arg4[%add3A, %dma_wait3A_49, %dma_wait3A_50] : memref<32x157x128xi32, #tpu.memory_space<hbm>> -> memref<1x157x128xi32, #tpu.memory_space<hbm>>
      %dma_wait3A_52 = tpu.memref_squeeze %dma_wait3A_51 : memref<1x157x128xi32, #tpu.memory_space<hbm>> -> memref<157x128xi32, #tpu.memory_space<hbm>>
      tpu.wait_dma2 semaphore(%run_scoped3A : memref<!tpu.dma_semaphore, #tpu.memory_space<semaphore_mem>>) src(%dma_wait3A_52 : memref<157x128xi32, #tpu.memory_space<hbm>>) dst(%arg9 : memref<157x128xi32, #tpu.memory_space<vmem>>)
      tpu.yield
    }) : () -> ()
    "tpu.region"() ({
      %run_scoped3A = tpu.sem_alloc : memref<!tpu.dma_semaphore, #tpu.memory_space<semaphore_mem>>
      tpu.enqueue_dma source(%arg5 : memref<64x128xf32, #tpu.memory_space<hbm>>) target(%arg12 : memref<64x128xf32, #tpu.memory_space<vmem>>) target_semaphore(%run_scoped3A : memref<!tpu.dma_semaphore, #tpu.memory_space<semaphore_mem>>)
      tpu.wait_dma2 semaphore(%run_scoped3A : memref<!tpu.dma_semaphore, #tpu.memory_space<semaphore_mem>>) src(%arg5 : memref<64x128xf32, #tpu.memory_space<hbm>>) dst(%arg12 : memref<64x128xf32, #tpu.memory_space<vmem>>)
      tpu.yield
    }) : () -> ()
    %mul3A_1 = arith.constant 320 : i32
    %mul3A_2 = arith.muli %arg1, %mul3A_1 : i32
    %add3A_3 = arith.constant 0 : i32
    %add3A_4 = arith.addi %mul3A_2, %add3A_3 : i32
    "tpu.region"() ({
      %run_scoped3A = tpu.sem_alloc : memref<!tpu.dma_semaphore, #tpu.memory_space<semaphore_mem>>
      %dma_start3A_38 = arith.constant 0 : i32
      %dma_start3A_39 = tpu.memref_slice %arg13[%add3A_4, %dma_start3A_38] : memref<5120x128xf32, #tpu.memory_space<vmem_shared>> -> memref<64x128xf32, #tpu.memory_space<vmem_shared>>
      %dma_start3A_40 = arith.constant 0 : i32
      %dma_start3A_41 = tpu.memref_slice %arg13[%add3A_4, %dma_start3A_40] : memref<5120x128xf32, #tpu.memory_space<vmem_shared>> -> memref<64x128xf32, #tpu.memory_space<vmem_shared>>
      tpu.enqueue_dma source(%arg12 : memref<64x128xf32, #tpu.memory_space<vmem>>) target(%dma_start3A_41 : memref<64x128xf32, #tpu.memory_space<vmem_shared>>) target_semaphore(%run_scoped3A : memref<!tpu.dma_semaphore, #tpu.memory_space<semaphore_mem>>)
      %dma_wait3A = arith.constant 0 : i32
      %dma_wait3A_42 = tpu.memref_slice %arg13[%add3A_4, %dma_wait3A] : memref<5120x128xf32, #tpu.memory_space<vmem_shared>> -> memref<64x128xf32, #tpu.memory_space<vmem_shared>>
      %dma_wait3A_43 = arith.constant 0 : i32
      %dma_wait3A_44 = tpu.memref_slice %arg13[%add3A_4, %dma_wait3A_43] : memref<5120x128xf32, #tpu.memory_space<vmem_shared>> -> memref<64x128xf32, #tpu.memory_space<vmem_shared>>
      tpu.wait_dma2 semaphore(%run_scoped3A : memref<!tpu.dma_semaphore, #tpu.memory_space<semaphore_mem>>) src(%arg12 : memref<64x128xf32, #tpu.memory_space<vmem>>) dst(%dma_wait3A_44 : memref<64x128xf32, #tpu.memory_space<vmem_shared>>)
      tpu.yield
    }) : () -> ()
    %add3A_5 = arith.constant 64 : i32
    %add3A_6 = arith.addi %mul3A_2, %add3A_5 : i32
    "tpu.region"() ({
      %run_scoped3A = tpu.sem_alloc : memref<!tpu.dma_semaphore, #tpu.memory_space<semaphore_mem>>
      %dma_start3A_38 = arith.constant 0 : i32
      %dma_start3A_39 = tpu.memref_slice %arg13[%add3A_6, %dma_start3A_38] : memref<5120x128xf32, #tpu.memory_space<vmem_shared>> -> memref<64x128xf32, #tpu.memory_space<vmem_shared>>
      %dma_start3A_40 = arith.constant 0 : i32
      %dma_start3A_41 = tpu.memref_slice %arg13[%add3A_6, %dma_start3A_40] : memref<5120x128xf32, #tpu.memory_space<vmem_shared>> -> memref<64x128xf32, #tpu.memory_space<vmem_shared>>
      tpu.enqueue_dma source(%arg12 : memref<64x128xf32, #tpu.memory_space<vmem>>) target(%dma_start3A_41 : memref<64x128xf32, #tpu.memory_space<vmem_shared>>) target_semaphore(%run_scoped3A : memref<!tpu.dma_semaphore, #tpu.memory_space<semaphore_mem>>)
      %dma_wait3A = arith.constant 0 : i32
      %dma_wait3A_42 = tpu.memref_slice %arg13[%add3A_6, %dma_wait3A] : memref<5120x128xf32, #tpu.memory_space<vmem_shared>> -> memref<64x128xf32, #tpu.memory_space<vmem_shared>>
      %dma_wait3A_43 = arith.constant 0 : i32
      %dma_wait3A_44 = tpu.memref_slice %arg13[%add3A_6, %dma_wait3A_43] : memref<5120x128xf32, #tpu.memory_space<vmem_shared>> -> memref<64x128xf32, #tpu.memory_space<vmem_shared>>
      tpu.wait_dma2 semaphore(%run_scoped3A : memref<!tpu.dma_semaphore, #tpu.memory_space<semaphore_mem>>) src(%arg12 : memref<64x128xf32, #tpu.memory_space<vmem>>) dst(%dma_wait3A_44 : memref<64x128xf32, #tpu.memory_space<vmem_shared>>)
      tpu.yield
    }) : () -> ()
    %add3A_7 = arith.constant 128 : i32
    %add3A_8 = arith.addi %mul3A_2, %add3A_7 : i32
    "tpu.region"() ({
      %run_scoped3A = tpu.sem_alloc : memref<!tpu.dma_semaphore, #tpu.memory_space<semaphore_mem>>
      %dma_start3A_38 = arith.constant 0 : i32
      %dma_start3A_39 = tpu.memref_slice %arg13[%add3A_8, %dma_start3A_38] : memref<5120x128xf32, #tpu.memory_space<vmem_shared>> -> memref<64x128xf32, #tpu.memory_space<vmem_shared>>
      %dma_start3A_40 = arith.constant 0 : i32
      %dma_start3A_41 = tpu.memref_slice %arg13[%add3A_8, %dma_start3A_40] : memref<5120x128xf32, #tpu.memory_space<vmem_shared>> -> memref<64x128xf32, #tpu.memory_space<vmem_shared>>
      tpu.enqueue_dma source(%arg12 : memref<64x128xf32, #tpu.memory_space<vmem>>) target(%dma_start3A_41 : memref<64x128xf32, #tpu.memory_space<vmem_shared>>) target_semaphore(%run_scoped3A : memref<!tpu.dma_semaphore, #tpu.memory_space<semaphore_mem>>)
      %dma_wait3A = arith.constant 0 : i32
      %dma_wait3A_42 = tpu.memref_slice %arg13[%add3A_8, %dma_wait3A] : memref<5120x128xf32, #tpu.memory_space<vmem_shared>> -> memref<64x128xf32, #tpu.memory_space<vmem_shared>>
      %dma_wait3A_43 = arith.constant 0 : i32
      %dma_wait3A_44 = tpu.memref_slice %arg13[%add3A_8, %dma_wait3A_43] : memref<5120x128xf32, #tpu.memory_space<vmem_shared>> -> memref<64x128xf32, #tpu.memory_space<vmem_shared>>
      tpu.wait_dma2 semaphore(%run_scoped3A : memref<!tpu.dma_semaphore, #tpu.memory_space<semaphore_mem>>) src(%arg12 : memref<64x128xf32, #tpu.memory_space<vmem>>) dst(%dma_wait3A_44 : memref<64x128xf32, #tpu.memory_space<vmem_shared>>)
      tpu.yield
    }) : () -> ()
    %add3A_9 = arith.constant 192 : i32
    %add3A_10 = arith.addi %mul3A_2, %add3A_9 : i32
    "tpu.region"() ({
      %run_scoped3A = tpu.sem_alloc : memref<!tpu.dma_semaphore, #tpu.memory_space<semaphore_mem>>
      %dma_start3A_38 = arith.constant 0 : i32
      %dma_start3A_39 = tpu.memref_slice %arg13[%add3A_10, %dma_start3A_38] : memref<5120x128xf32, #tpu.memory_space<vmem_shared>> -> memref<64x128xf32, #tpu.memory_space<vmem_shared>>
      %dma_start3A_40 = arith.constant 0 : i32
      %dma_start3A_41 = tpu.memref_slice %arg13[%add3A_10, %dma_start3A_40] : memref<5120x128xf32, #tpu.memory_space<vmem_shared>> -> memref<64x128xf32, #tpu.memory_space<vmem_shared>>
      tpu.enqueue_dma source(%arg12 : memref<64x128xf32, #tpu.memory_space<vmem>>) target(%dma_start3A_41 : memref<64x128xf32, #tpu.memory_space<vmem_shared>>) target_semaphore(%run_scoped3A : memref<!tpu.dma_semaphore, #tpu.memory_space<semaphore_mem>>)
      %dma_wait3A = arith.constant 0 : i32
      %dma_wait3A_42 = tpu.memref_slice %arg13[%add3A_10, %dma_wait3A] : memref<5120x128xf32, #tpu.memory_space<vmem_shared>> -> memref<64x128xf32, #tpu.memory_space<vmem_shared>>
      %dma_wait3A_43 = arith.constant 0 : i32
      %dma_wait3A_44 = tpu.memref_slice %arg13[%add3A_10, %dma_wait3A_43] : memref<5120x128xf32, #tpu.memory_space<vmem_shared>> -> memref<64x128xf32, #tpu.memory_space<vmem_shared>>
      tpu.wait_dma2 semaphore(%run_scoped3A : memref<!tpu.dma_semaphore, #tpu.memory_space<semaphore_mem>>) src(%arg12 : memref<64x128xf32, #tpu.memory_space<vmem>>) dst(%dma_wait3A_44 : memref<64x128xf32, #tpu.memory_space<vmem_shared>>)
      tpu.yield
    }) : () -> ()
    %add3A_11 = arith.constant 256 : i32
    %add3A_12 = arith.addi %mul3A_2, %add3A_11 : i32
    "tpu.region"() ({
      %run_scoped3A = tpu.sem_alloc : memref<!tpu.dma_semaphore, #tpu.memory_space<semaphore_mem>>
      %dma_start3A_38 = arith.constant 0 : i32
      %dma_start3A_39 = tpu.memref_slice %arg13[%add3A_12, %dma_start3A_38] : memref<5120x128xf32, #tpu.memory_space<vmem_shared>> -> memref<64x128xf32, #tpu.memory_space<vmem_shared>>
      %dma_start3A_40 = arith.constant 0 : i32
      %dma_start3A_41 = tpu.memref_slice %arg13[%add3A_12, %dma_start3A_40] : memref<5120x128xf32, #tpu.memory_space<vmem_shared>> -> memref<64x128xf32, #tpu.memory_space<vmem_shared>>
      tpu.enqueue_dma source(%arg12 : memref<64x128xf32, #tpu.memory_space<vmem>>) target(%dma_start3A_41 : memref<64x128xf32, #tpu.memory_space<vmem_shared>>) target_semaphore(%run_scoped3A : memref<!tpu.dma_semaphore, #tpu.memory_space<semaphore_mem>>)
      %dma_wait3A = arith.constant 0 : i32
      %dma_wait3A_42 = tpu.memref_slice %arg13[%add3A_12, %dma_wait3A] : memref<5120x128xf32, #tpu.memory_space<vmem_shared>> -> memref<64x128xf32, #tpu.memory_space<vmem_shared>>
      %dma_wait3A_43 = arith.constant 0 : i32
      %dma_wait3A_44 = tpu.memref_slice %arg13[%add3A_12, %dma_wait3A_43] : memref<5120x128xf32, #tpu.memory_space<vmem_shared>> -> memref<64x128xf32, #tpu.memory_space<vmem_shared>>
      tpu.wait_dma2 semaphore(%run_scoped3A : memref<!tpu.dma_semaphore, #tpu.memory_space<semaphore_mem>>) src(%arg12 : memref<64x128xf32, #tpu.memory_space<vmem>>) dst(%dma_wait3A_44 : memref<64x128xf32, #tpu.memory_space<vmem_shared>>)
      tpu.yield
    }) : () -> ()
    %barrier3A = arith.constant 0 : index
    tpu.barrier barrier_id(%barrier3A)
    %dma_start3A = arith.constant 0 : i32
    %dma_start3A_13 = arith.constant 0 : i32
    %dma_start3A_14 = tpu.memref_slice %arg8[%dma_start3A, %dma_start3A_13] : memref<157x128xi32, #tpu.memory_space<vmem>> -> memref<1x128xi32, #tpu.memory_space<vmem>>
    %dma_start3A_15 = tpu.memref_squeeze %dma_start3A_14 : memref<1x128xi32, #tpu.memory_space<vmem>> -> memref<128xi32, #tpu.memory_space<vmem>>
    %dma_start3A_16 = arith.constant 0 : i32
    %dma_start3A_17 = arith.constant 0 : i32
    %dma_start3A_18 = tpu.memref_slice %arg2[%dma_start3A_16, %dma_start3A_17] : memref<10000x128xf32, #tpu.memory_space<hbm>> -> memref<10000x128xf32, #tpu.memory_space<hbm>>
    tpu.enqueue_indirect_dma source(%dma_start3A_18 : memref<10000x128xf32, #tpu.memory_space<hbm>>) target(%arg10 : memref<128x128xf32, #tpu.memory_space<vmem>>) offsets(%dma_start3A_15 : memref<128xi32, #tpu.memory_space<vmem>>) semaphore(%arg14 : memref<!tpu.dma_semaphore, #tpu.memory_space<semaphore_mem>>)
    %dma_start3A_19 = arith.constant 1 : i32
    %dma_start3A_20 = arith.constant 0 : i32
    %dma_start3A_21 = tpu.memref_slice %arg8[%dma_start3A_19, %dma_start3A_20] : memref<157x128xi32, #tpu.memory_space<vmem>> -> memref<1x128xi32, #tpu.memory_space<vmem>>
    %dma_start3A_22 = tpu.memref_squeeze %dma_start3A_21 : memref<1x128xi32, #tpu.memory_space<vmem>> -> memref<128xi32, #tpu.memory_space<vmem>>
    %dma_start3A_23 = arith.constant 0 : i32
    %dma_start3A_24 = arith.constant 0 : i32
    %dma_start3A_25 = tpu.memref_slice %arg2[%dma_start3A_23, %dma_start3A_24] : memref<10000x128xf32, #tpu.memory_space<hbm>> -> memref<10000x128xf32, #tpu.memory_space<hbm>>
    tpu.enqueue_indirect_dma source(%dma_start3A_25 : memref<10000x128xf32, #tpu.memory_space<hbm>>) target(%arg11 : memref<128x128xf32, #tpu.memory_space<vmem>>) offsets(%dma_start3A_22 : memref<128xi32, #tpu.memory_space<vmem>>) semaphore(%arg15 : memref<!tpu.dma_semaphore, #tpu.memory_space<semaphore_mem>>)
    %scan3A = arith.constant 0 : i32
    %scan3A_26 = arith.constant 79 : i32
    %scan3A_27 = arith.addi %scan3A, %scan3A_26 : i32
    %scan3A_28 = arith.constant 1 : i32
    scf.for %scan3A_38 = %scan3A to %scan3A_27 step %scan3A_28  : i32 {
      %mul3A_39 = arith.constant 2 : i32
      %mul3A_40 = arith.muli %scan3A_38, %mul3A_39 : i32
      %add3A_41 = arith.constant 0 : i32
      %add3A_42 = arith.addi %add3A_41, %mul3A_40 : i32
      %dma_wait3A = arith.constant 0 : i32
      %dma_wait3A_43 = tpu.memref_slice %arg8[%add3A_42, %dma_wait3A] : memref<157x128xi32, #tpu.memory_space<vmem>> -> memref<1x128xi32, #tpu.memory_space<vmem>>
      %dma_wait3A_44 = tpu.memref_squeeze %dma_wait3A_43 : memref<1x128xi32, #tpu.memory_space<vmem>> -> memref<128xi32, #tpu.memory_space<vmem>>
      %dma_wait3A_45 = arith.constant 0 : i32
      %dma_wait3A_46 = arith.constant 0 : i32
      %dma_wait3A_47 = tpu.memref_slice %arg2[%dma_wait3A_45, %dma_wait3A_46] : memref<10000x128xf32, #tpu.memory_space<hbm>> -> memref<10000x128xf32, #tpu.memory_space<hbm>>
      tpu.wait_indirect_dma semaphore(%arg14 : memref<!tpu.dma_semaphore, #tpu.memory_space<semaphore_mem>>) src(%dma_wait3A_47 : memref<10000x128xf32, #tpu.memory_space<hbm>>) dst(%arg10 : memref<128x128xf32, #tpu.memory_space<vmem>>)
      "tpu.region"() ({
        %run_scoped3A = tpu.sem_alloc : memref<!tpu.dma_semaphore, #tpu.memory_space<semaphore_mem>>
        %dma_start3A_61 = arith.constant 0 : i32
        %dma_start3A_62 = tpu.memref_slice %arg9[%add3A_42, %dma_start3A_61] : memref<157x128xi32, #tpu.memory_space<vmem>> -> memref<1x128xi32, #tpu.memory_space<vmem>>
        %dma_start3A_63 = tpu.memref_squeeze %dma_start3A_62 : memref<1x128xi32, #tpu.memory_space<vmem>> -> memref<128xi32, #tpu.memory_space<vmem>>
        %dma_start3A_64 = arith.constant 0 : i32
        %dma_start3A_65 = arith.constant 0 : i32
        %dma_start3A_66 = tpu.memref_slice %arg13[%dma_start3A_64, %dma_start3A_65] : memref<5120x128xf32, #tpu.memory_space<vmem_shared>> -> memref<5120x128xf32, #tpu.memory_space<vmem_shared>>
        tpu.enqueue_indirect_dma source(%arg10 : memref<128x128xf32, #tpu.memory_space<vmem>>) target(%dma_start3A_66 : memref<5120x128xf32, #tpu.memory_space<vmem_shared>>) offsets(%dma_start3A_63 : memref<128xi32, #tpu.memory_space<vmem>>) semaphore(%run_scoped3A : memref<!tpu.dma_semaphore, #tpu.memory_space<semaphore_mem>>) {add = true}
        %dma_wait3A_67 = arith.constant 0 : i32
        %dma_wait3A_68 = tpu.memref_slice %arg9[%add3A_42, %dma_wait3A_67] : memref<157x128xi32, #tpu.memory_space<vmem>> -> memref<1x128xi32, #tpu.memory_space<vmem>>
        %dma_wait3A_69 = tpu.memref_squeeze %dma_wait3A_68 : memref<1x128xi32, #tpu.memory_space<vmem>> -> memref<128xi32, #tpu.memory_space<vmem>>
        %dma_wait3A_70 = arith.constant 0 : i32
        %dma_wait3A_71 = arith.constant 0 : i32
        %dma_wait3A_72 = tpu.memref_slice %arg13[%dma_wait3A_70, %dma_wait3A_71] : memref<5120x128xf32, #tpu.memory_space<vmem_shared>> -> memref<5120x128xf32, #tpu.memory_space<vmem_shared>>
        tpu.wait_indirect_dma semaphore(%run_scoped3A : memref<!tpu.dma_semaphore, #tpu.memory_space<semaphore_mem>>) src(%arg10 : memref<128x128xf32, #tpu.memory_space<vmem>>) dst(%dma_wait3A_72 : memref<5120x128xf32, #tpu.memory_space<vmem_shared>>)
        tpu.yield
      }) : () -> ()
      %add3A_48 = arith.constant 2 : i32
      %add3A_49 = arith.addi %add3A_42, %add3A_48 : i32
      %lt3A = arith.constant 157 : i32
      %lt3A_50 = arith.cmpi slt, %add3A_49, %lt3A : i32
      %convert_element_type3A_51 = arith.extui %lt3A_50 : i1 to i32
      %cond3A_52 = arith.constant 0 : i32
      %cond3A_53 = arith.cmpi ne, %convert_element_type3A_51, %cond3A_52 : i32
      scf.if %cond3A_53 {
        %add3A_61 = arith.constant 2 : i32
        %add3A_62 = arith.addi %add3A_42, %add3A_61 : i32
        %dma_start3A_63 = arith.constant 0 : i32
        %dma_start3A_64 = tpu.memref_slice %arg8[%add3A_62, %dma_start3A_63] : memref<157x128xi32, #tpu.memory_space<vmem>> -> memref<1x128xi32, #tpu.memory_space<vmem>>
        %dma_start3A_65 = tpu.memref_squeeze %dma_start3A_64 : memref<1x128xi32, #tpu.memory_space<vmem>> -> memref<128xi32, #tpu.memory_space<vmem>>
        %dma_start3A_66 = arith.constant 0 : i32
        %dma_start3A_67 = arith.constant 0 : i32
        %dma_start3A_68 = tpu.memref_slice %arg2[%dma_start3A_66, %dma_start3A_67] : memref<10000x128xf32, #tpu.memory_space<hbm>> -> memref<10000x128xf32, #tpu.memory_space<hbm>>
        tpu.enqueue_indirect_dma source(%dma_start3A_68 : memref<10000x128xf32, #tpu.memory_space<hbm>>) target(%arg10 : memref<128x128xf32, #tpu.memory_space<vmem>>) offsets(%dma_start3A_65 : memref<128xi32, #tpu.memory_space<vmem>>) semaphore(%arg14 : memref<!tpu.dma_semaphore, #tpu.memory_space<semaphore_mem>>)
      } else {
      }
      %add3A_54 = arith.constant 1 : i32
      %add3A_55 = arith.addi %add3A_42, %add3A_54 : i32
      %lt3A_56 = arith.constant 157 : i32
      %lt3A_57 = arith.cmpi slt, %add3A_55, %lt3A_56 : i32
      %convert_element_type3A_58 = arith.extui %lt3A_57 : i1 to i32
      %cond3A_59 = arith.constant 0 : i32
      %cond3A_60 = arith.cmpi ne, %convert_element_type3A_58, %cond3A_59 : i32
      scf.if %cond3A_60 {
        %add3A_61 = arith.constant 1 : i32
        %add3A_62 = arith.addi %add3A_42, %add3A_61 : i32
        %dma_wait3A_63 = arith.constant 0 : i32
        %dma_wait3A_64 = tpu.memref_slice %arg8[%add3A_62, %dma_wait3A_63] : memref<157x128xi32, #tpu.memory_space<vmem>> -> memref<1x128xi32, #tpu.memory_space<vmem>>
        %dma_wait3A_65 = tpu.memref_squeeze %dma_wait3A_64 : memref<1x128xi32, #tpu.memory_space<vmem>> -> memref<128xi32, #tpu.memory_space<vmem>>
        %dma_wait3A_66 = arith.constant 0 : i32
        %dma_wait3A_67 = arith.constant 0 : i32
        %dma_wait3A_68 = tpu.memref_slice %arg2[%dma_wait3A_66, %dma_wait3A_67] : memref<10000x128xf32, #tpu.memory_space<hbm>> -> memref<10000x128xf32, #tpu.memory_space<hbm>>
        tpu.wait_indirect_dma semaphore(%arg15 : memref<!tpu.dma_semaphore, #tpu.memory_space<semaphore_mem>>) src(%dma_wait3A_68 : memref<10000x128xf32, #tpu.memory_space<hbm>>) dst(%arg11 : memref<128x128xf32, #tpu.memory_space<vmem>>)
        %add3A_69 = arith.constant 1 : i32
        %add3A_70 = arith.addi %add3A_42, %add3A_69 : i32
        "tpu.region"() ({
          %run_scoped3A = tpu.sem_alloc : memref<!tpu.dma_semaphore, #tpu.memory_space<semaphore_mem>>
          %dma_start3A_78 = arith.constant 0 : i32
          %dma_start3A_79 = tpu.memref_slice %arg9[%add3A_70, %dma_start3A_78] : memref<157x128xi32, #tpu.memory_space<vmem>> -> memref<1x128xi32, #tpu.memory_space<vmem>>
          %dma_start3A_80 = tpu.memref_squeeze %dma_start3A_79 : memref<1x128xi32, #tpu.memory_space<vmem>> -> memref<128xi32, #tpu.memory_space<vmem>>
          %dma_start3A_81 = arith.constant 0 : i32
          %dma_start3A_82 = arith.constant 0 : i32
          %dma_start3A_83 = tpu.memref_slice %arg13[%dma_start3A_81, %dma_start3A_82] : memref<5120x128xf32, #tpu.memory_space<vmem_shared>> -> memref<5120x128xf32, #tpu.memory_space<vmem_shared>>
          tpu.enqueue_indirect_dma source(%arg11 : memref<128x128xf32, #tpu.memory_space<vmem>>) target(%dma_start3A_83 : memref<5120x128xf32, #tpu.memory_space<vmem_shared>>) offsets(%dma_start3A_80 : memref<128xi32, #tpu.memory_space<vmem>>) semaphore(%run_scoped3A : memref<!tpu.dma_semaphore, #tpu.memory_space<semaphore_mem>>) {add = true}
          %dma_wait3A_84 = arith.constant 0 : i32
          %dma_wait3A_85 = tpu.memref_slice %arg9[%add3A_70, %dma_wait3A_84] : memref<157x128xi32, #tpu.memory_space<vmem>> -> memref<1x128xi32, #tpu.memory_space<vmem>>
          %dma_wait3A_86 = tpu.memref_squeeze %dma_wait3A_85 : memref<1x128xi32, #tpu.memory_space<vmem>> -> memref<128xi32, #tpu.memory_space<vmem>>
          %dma_wait3A_87 = arith.constant 0 : i32
          %dma_wait3A_88 = arith.constant 0 : i32
          %dma_wait3A_89 = tpu.memref_slice %arg13[%dma_wait3A_87, %dma_wait3A_88] : memref<5120x128xf32, #tpu.memory_space<vmem_shared>> -> memref<5120x128xf32, #tpu.memory_space<vmem_shared>>
          tpu.wait_indirect_dma semaphore(%run_scoped3A : memref<!tpu.dma_semaphore, #tpu.memory_space<semaphore_mem>>) src(%arg11 : memref<128x128xf32, #tpu.memory_space<vmem>>) dst(%dma_wait3A_89 : memref<5120x128xf32, #tpu.memory_space<vmem_shared>>)
          tpu.yield
        }) : () -> ()
        %add3A_71 = arith.constant 3 : i32
        %add3A_72 = arith.addi %add3A_42, %add3A_71 : i32
        %lt3A_73 = arith.constant 157 : i32
        %lt3A_74 = arith.cmpi slt, %add3A_72, %lt3A_73 : i32
        %convert_element_type3A_75 = arith.extui %lt3A_74 : i1 to i32
        %cond3A_76 = arith.constant 0 : i32
        %cond3A_77 = arith.cmpi ne, %convert_element_type3A_75, %cond3A_76 : i32
        scf.if %cond3A_77 {
          %add3A_78 = arith.constant 3 : i32
          %add3A_79 = arith.addi %add3A_42, %add3A_78 : i32
          %dma_start3A_80 = arith.constant 0 : i32
          %dma_start3A_81 = tpu.memref_slice %arg8[%add3A_79, %dma_start3A_80] : memref<157x128xi32, #tpu.memory_space<vmem>> -> memref<1x128xi32, #tpu.memory_space<vmem>>
          %dma_start3A_82 = tpu.memref_squeeze %dma_start3A_81 : memref<1x128xi32, #tpu.memory_space<vmem>> -> memref<128xi32, #tpu.memory_space<vmem>>
          %dma_start3A_83 = arith.constant 0 : i32
          %dma_start3A_84 = arith.constant 0 : i32
          %dma_start3A_85 = tpu.memref_slice %arg2[%dma_start3A_83, %dma_start3A_84] : memref<10000x128xf32, #tpu.memory_space<hbm>> -> memref<10000x128xf32, #tpu.memory_space<hbm>>
          tpu.enqueue_indirect_dma source(%dma_start3A_85 : memref<10000x128xf32, #tpu.memory_space<hbm>>) target(%arg11 : memref<128x128xf32, #tpu.memory_space<vmem>>) offsets(%dma_start3A_82 : memref<128xi32, #tpu.memory_space<vmem>>) semaphore(%arg15 : memref<!tpu.dma_semaphore, #tpu.memory_space<semaphore_mem>>)
        } else {
        }
      } else {
      }
    }
    %scan3A_29 = arith.constant 79 : i32
    %barrier3A_30 = arith.constant 0 : index
    tpu.barrier barrier_id(%barrier3A_30)
    %eq3A = arith.constant 0 : i32
    %eq3A_31 = arith.cmpi eq, %arg0, %eq3A : i32
    %convert_element_type3A = arith.extui %eq3A_31 : i1 to i32
    %cond3A = arith.constant 0 : i32
    %cond3A_32 = arith.cmpi ne, %convert_element_type3A, %cond3A : i32
    scf.if %cond3A_32 {
      "tpu.region"() ({
        %run_scoped3A = tpu.sem_alloc : memref<!tpu.dma_semaphore, #tpu.memory_space<semaphore_mem>>
        %dma_start3A_38 = arith.constant 0 : i32
        %dma_start3A_39 = tpu.memref_slice %arg6[%mul3A_2, %dma_start3A_38] : memref<5120x128xf32, #tpu.memory_space<hbm>> -> memref<320x128xf32, #tpu.memory_space<hbm>>
        %dma_start3A_40 = arith.constant 0 : i32
        %dma_start3A_41 = tpu.memref_slice %arg13[%mul3A_2, %dma_start3A_40] : memref<5120x128xf32, #tpu.memory_space<vmem_shared>> -> memref<320x128xf32, #tpu.memory_space<vmem_shared>>
        tpu.enqueue_dma source(%dma_start3A_41 : memref<320x128xf32, #tpu.memory_space<vmem_shared>>) target(%dma_start3A_39 : memref<320x128xf32, #tpu.memory_space<hbm>>) target_semaphore(%run_scoped3A : memref<!tpu.dma_semaphore, #tpu.memory_space<semaphore_mem>>)
        %dma_wait3A = arith.constant 0 : i32
        %dma_wait3A_42 = tpu.memref_slice %arg6[%mul3A_2, %dma_wait3A] : memref<5120x128xf32, #tpu.memory_space<hbm>> -> memref<320x128xf32, #tpu.memory_space<hbm>>
        %dma_wait3A_43 = arith.constant 0 : i32
        %dma_wait3A_44 = tpu.memref_slice %arg13[%mul3A_2, %dma_wait3A_43] : memref<5120x128xf32, #tpu.memory_space<vmem_shared>> -> memref<320x128xf32, #tpu.memory_space<vmem_shared>>
        tpu.wait_dma2 semaphore(%run_scoped3A : memref<!tpu.dma_semaphore, #tpu.memory_space<semaphore_mem>>) src(%dma_wait3A_44 : memref<320x128xf32, #tpu.memory_space<vmem_shared>>) dst(%dma_wait3A_42 : memref<320x128xf32, #tpu.memory_space<hbm>>)
        tpu.yield
      }) : () -> ()
    } else {
    }
    %eq3A_33 = arith.constant 1 : i32
    %eq3A_34 = arith.cmpi eq, %arg0, %eq3A_33 : i32
    %convert_element_type3A_35 = arith.extui %eq3A_34 : i1 to i32
    %cond3A_36 = arith.constant 0 : i32
    %cond3A_37 = arith.cmpi ne, %convert_element_type3A_35, %cond3A_36 : i32
    scf.if %cond3A_37 {
      "tpu.region"() ({
        %run_scoped3A = tpu.sem_alloc : memref<!tpu.dma_semaphore, #tpu.memory_space<semaphore_mem>>
        %dma_start3A_38 = arith.constant 0 : i32
        %dma_start3A_39 = tpu.memref_slice %arg7[%mul3A_2, %dma_start3A_38] : memref<5120x128xf32, #tpu.memory_space<hbm>> -> memref<320x128xf32, #tpu.memory_space<hbm>>
        %dma_start3A_40 = arith.constant 0 : i32
        %dma_start3A_41 = tpu.memref_slice %arg13[%mul3A_2, %dma_start3A_40] : memref<5120x128xf32, #tpu.memory_space<vmem_shared>> -> memref<320x128xf32, #tpu.memory_space<vmem_shared>>
        tpu.enqueue_dma source(%dma_start3A_41 : memref<320x128xf32, #tpu.memory_space<vmem_shared>>) target(%dma_start3A_39 : memref<320x128xf32, #tpu.memory_space<hbm>>) target_semaphore(%run_scoped3A : memref<!tpu.dma_semaphore, #tpu.memory_space<semaphore_mem>>)
        %dma_wait3A = arith.constant 0 : i32
        %dma_wait3A_42 = tpu.memref_slice %arg7[%mul3A_2, %dma_wait3A] : memref<5120x128xf32, #tpu.memory_space<hbm>> -> memref<320x128xf32, #tpu.memory_space<hbm>>
        %dma_wait3A_43 = arith.constant 0 : i32
        %dma_wait3A_44 = tpu.memref_slice %arg13[%mul3A_2, %dma_wait3A_43] : memref<5120x128xf32, #tpu.memory_space<vmem_shared>> -> memref<320x128xf32, #tpu.memory_space<vmem_shared>>
        tpu.wait_dma2 semaphore(%run_scoped3A : memref<!tpu.dma_semaphore, #tpu.memory_space<semaphore_mem>>) src(%dma_wait3A_44 : memref<320x128xf32, #tpu.memory_space<vmem_shared>>) dst(%dma_wait3A_42 : memref<320x128xf32, #tpu.memory_space<hbm>>)
        tpu.yield
      }) : () -> ()
    } else {
    }
    return
  }
}

#map = affine_map<(d0, d1) -> (0, 0)>
#map1 = affine_map<(d0, d1) -> (0, 0, 0)>
module attributes {stable_mosaic.version = 14 : i64} {
  func.func @_sc_scatter_body(%arg0: i32, %arg1: i32, %arg2: memref<10000x128xf32, #tpu.memory_space<hbm>>, %arg3: memref<16x157x128xi32, #tpu.memory_space<hbm>>, %arg4: memref<32x157x128xi32, #tpu.memory_space<hbm>>, %arg5: memref<64x128xf32, #tpu.memory_space<hbm>>, %arg6: memref<5120x128xf32, #tpu.memory_space<hbm>>, %arg7: memref<5120x128xf32, #tpu.memory_space<hbm>>, %arg8: memref<157x128xi32, #tpu.memory_space<vmem>>, %arg9: memref<157x128xi32, #tpu.memory_space<vmem>>, %arg10: memref<128x128xf32, #tpu.memory_space<vmem>>, %arg11: memref<128x128xf32, #tpu.memory_space<vmem>>, %arg12: memref<64x128xf32, #tpu.memory_space<vmem>>, %arg13: memref<5120x128xf32, #tpu.memory_space<vmem_shared>>, %arg14: memref<!tpu.dma_semaphore, #tpu.memory_space<semaphore_mem>>, %arg15: memref<!tpu.dma_semaphore, #tpu.memory_space<semaphore_mem>>) attributes {dimension_semantics = [#tpu.dimension_semantics<core_parallel>, #tpu.dimension_semantics<subcore_parallel>], iteration_bounds = array<i64: 2, 16>, scalar_prefetch = 0 : i64, scratch_operands = 8 : i64, tpu.core_type = #tpu.core_type<sc_vector_subcore>, window_params = [{transform_indices = #map}, {transform_indices = #map1}, {transform_indices = #map1}, {transform_indices = #map}, {transform_indices = #map}, {transform_indices = #map}]} {
    %mul3A = arith.constant 16 : i32
    %mul3A_0 = arith.muli %arg0, %mul3A : i32
    %add3A = arith.addi %mul3A_0, %arg1 : i32
    "tpu.region"() ({
      %run_scoped3A = tpu.sem_alloc : memref<!tpu.dma_semaphore, #tpu.memory_space<semaphore_mem>>
      %dma_start3A_38 = arith.constant 0 : i32
      %dma_start3A_39 = arith.constant 0 : i32
      %dma_start3A_40 = tpu.memref_slice %arg3[%arg1, %dma_start3A_38, %dma_start3A_39] : memref<16x157x128xi32, #tpu.memory_space<hbm>> -> memref<1x157x128xi32, #tpu.memory_space<hbm>>
      %dma_start3A_41 = tpu.memref_squeeze %dma_start3A_40 : memref<1x157x128xi32, #tpu.memory_space<hbm>> -> memref<157x128xi32, #tpu.memory_space<hbm>>
      %dma_start3A_42 = arith.constant 0 : i32
      %dma_start3A_43 = arith.constant 0 : i32
      %dma_start3A_44 = tpu.memref_slice %arg3[%arg1, %dma_start3A_42, %dma_start3A_43] : memref<16x157x128xi32, #tpu.memory_space<hbm>> -> memref<1x157x128xi32, #tpu.memory_space<hbm>>
      %dma_start3A_45 = tpu.memref_squeeze %dma_start3A_44 : memref<1x157x128xi32, #tpu.memory_space<hbm>> -> memref<157x128xi32, #tpu.memory_space<hbm>>
      tpu.enqueue_dma source(%dma_start3A_45 : memref<157x128xi32, #tpu.memory_space<hbm>>) target(%arg8 : memref<157x128xi32, #tpu.memory_space<vmem>>) target_semaphore(%run_scoped3A : memref<!tpu.dma_semaphore, #tpu.memory_space<semaphore_mem>>)
      %dma_wait3A = arith.constant 0 : i32
      %dma_wait3A_46 = arith.constant 0 : i32
      %dma_wait3A_47 = tpu.memref_slice %arg3[%arg1, %dma_wait3A, %dma_wait3A_46] : memref<16x157x128xi32, #tpu.memory_space<hbm>> -> memref<1x157x128xi32, #tpu.memory_space<hbm>>
      %dma_wait3A_48 = tpu.memref_squeeze %dma_wait3A_47 : memref<1x157x128xi32, #tpu.memory_space<hbm>> -> memref<157x128xi32, #tpu.memory_space<hbm>>
      %dma_wait3A_49 = arith.constant 0 : i32
      %dma_wait3A_50 = arith.constant 0 : i32
      %dma_wait3A_51 = tpu.memref_slice %arg3[%arg1, %dma_wait3A_49, %dma_wait3A_50] : memref<16x157x128xi32, #tpu.memory_space<hbm>> -> memref<1x157x128xi32, #tpu.memory_space<hbm>>
      %dma_wait3A_52 = tpu.memref_squeeze %dma_wait3A_51 : memref<1x157x128xi32, #tpu.memory_space<hbm>> -> memref<157x128xi32, #tpu.memory_space<hbm>>
      tpu.wait_dma2 semaphore(%run_scoped3A : memref<!tpu.dma_semaphore, #tpu.memory_space<semaphore_mem>>) src(%dma_wait3A_52 : memref<157x128xi32, #tpu.memory_space<hbm>>) dst(%arg8 : memref<157x128xi32, #tpu.memory_space<vmem>>)
      tpu.yield
    }) : () -> ()
    "tpu.region"() ({
      %run_scoped3A = tpu.sem_alloc : memref<!tpu.dma_semaphore, #tpu.memory_space<semaphore_mem>>
      %dma_start3A_38 = arith.constant 0 : i32
      %dma_start3A_39 = arith.constant 0 : i32
      %dma_start3A_40 = tpu.memref_slice %arg4[%add3A, %dma_start3A_38, %dma_start3A_39] : memref<32x157x128xi32, #tpu.memory_space<hbm>> -> memref<1x157x128xi32, #tpu.memory_space<hbm>>
      %dma_start3A_41 = tpu.memref_squeeze %dma_start3A_40 : memref<1x157x128xi32, #tpu.memory_space<hbm>> -> memref<157x128xi32, #tpu.memory_space<hbm>>
      %dma_start3A_42 = arith.constant 0 : i32
      %dma_start3A_43 = arith.constant 0 : i32
      %dma_start3A_44 = tpu.memref_slice %arg4[%add3A, %dma_start3A_42, %dma_start3A_43] : memref<32x157x128xi32, #tpu.memory_space<hbm>> -> memref<1x157x128xi32, #tpu.memory_space<hbm>>
      %dma_start3A_45 = tpu.memref_squeeze %dma_start3A_44 : memref<1x157x128xi32, #tpu.memory_space<hbm>> -> memref<157x128xi32, #tpu.memory_space<hbm>>
      tpu.enqueue_dma source(%dma_start3A_45 : memref<157x128xi32, #tpu.memory_space<hbm>>) target(%arg9 : memref<157x128xi32, #tpu.memory_space<vmem>>) target_semaphore(%run_scoped3A : memref<!tpu.dma_semaphore, #tpu.memory_space<semaphore_mem>>)
      %dma_wait3A = arith.constant 0 : i32
      %dma_wait3A_46 = arith.constant 0 : i32
      %dma_wait3A_47 = tpu.memref_slice %arg4[%add3A, %dma_wait3A, %dma_wait3A_46] : memref<32x157x128xi32, #tpu.memory_space<hbm>> -> memref<1x157x128xi32, #tpu.memory_space<hbm>>
      %dma_wait3A_48 = tpu.memref_squeeze %dma_wait3A_47 : memref<1x157x128xi32, #tpu.memory_space<hbm>> -> memref<157x128xi32, #tpu.memory_space<hbm>>
      %dma_wait3A_49 = arith.constant 0 : i32
      %dma_wait3A_50 = arith.constant 0 : i32
      %dma_wait3A_51 = tpu.memref_slice %arg4[%add3A, %dma_wait3A_49, %dma_wait3A_50] : memref<32x157x128xi32, #tpu.memory_space<hbm>> -> memref<1x157x128xi32, #tpu.memory_space<hbm>>
      %dma_wait3A_52 = tpu.memref_squeeze %dma_wait3A_51 : memref<1x157x128xi32, #tpu.memory_space<hbm>> -> memref<157x128xi32, #tpu.memory_space<hbm>>
      tpu.wait_dma2 semaphore(%run_scoped3A : memref<!tpu.dma_semaphore, #tpu.memory_space<semaphore_mem>>) src(%dma_wait3A_52 : memref<157x128xi32, #tpu.memory_space<hbm>>) dst(%arg9 : memref<157x128xi32, #tpu.memory_space<vmem>>)
      tpu.yield
    }) : () -> ()
    "tpu.region"() ({
      %run_scoped3A = tpu.sem_alloc : memref<!tpu.dma_semaphore, #tpu.memory_space<semaphore_mem>>
      tpu.enqueue_dma source(%arg5 : memref<64x128xf32, #tpu.memory_space<hbm>>) target(%arg12 : memref<64x128xf32, #tpu.memory_space<vmem>>) target_semaphore(%run_scoped3A : memref<!tpu.dma_semaphore, #tpu.memory_space<semaphore_mem>>)
      tpu.wait_dma2 semaphore(%run_scoped3A : memref<!tpu.dma_semaphore, #tpu.memory_space<semaphore_mem>>) src(%arg5 : memref<64x128xf32, #tpu.memory_space<hbm>>) dst(%arg12 : memref<64x128xf32, #tpu.memory_space<vmem>>)
      tpu.yield
    }) : () -> ()
    %mul3A_1 = arith.constant 320 : i32
    %mul3A_2 = arith.muli %arg1, %mul3A_1 : i32
    %add3A_3 = arith.constant 0 : i32
    %add3A_4 = arith.addi %mul3A_2, %add3A_3 : i32
    "tpu.region"() ({
      %run_scoped3A = tpu.sem_alloc : memref<!tpu.dma_semaphore, #tpu.memory_space<semaphore_mem>>
      %dma_start3A_38 = arith.constant 0 : i32
      %dma_start3A_39 = tpu.memref_slice %arg13[%add3A_4, %dma_start3A_38] : memref<5120x128xf32, #tpu.memory_space<vmem_shared>> -> memref<64x128xf32, #tpu.memory_space<vmem_shared>>
      %dma_start3A_40 = arith.constant 0 : i32
      %dma_start3A_41 = tpu.memref_slice %arg13[%add3A_4, %dma_start3A_40] : memref<5120x128xf32, #tpu.memory_space<vmem_shared>> -> memref<64x128xf32, #tpu.memory_space<vmem_shared>>
      tpu.enqueue_dma source(%arg12 : memref<64x128xf32, #tpu.memory_space<vmem>>) target(%dma_start3A_41 : memref<64x128xf32, #tpu.memory_space<vmem_shared>>) target_semaphore(%run_scoped3A : memref<!tpu.dma_semaphore, #tpu.memory_space<semaphore_mem>>)
      %dma_wait3A = arith.constant 0 : i32
      %dma_wait3A_42 = tpu.memref_slice %arg13[%add3A_4, %dma_wait3A] : memref<5120x128xf32, #tpu.memory_space<vmem_shared>> -> memref<64x128xf32, #tpu.memory_space<vmem_shared>>
      %dma_wait3A_43 = arith.constant 0 : i32
      %dma_wait3A_44 = tpu.memref_slice %arg13[%add3A_4, %dma_wait3A_43] : memref<5120x128xf32, #tpu.memory_space<vmem_shared>> -> memref<64x128xf32, #tpu.memory_space<vmem_shared>>
      tpu.wait_dma2 semaphore(%run_scoped3A : memref<!tpu.dma_semaphore, #tpu.memory_space<semaphore_mem>>) src(%arg12 : memref<64x128xf32, #tpu.memory_space<vmem>>) dst(%dma_wait3A_44 : memref<64x128xf32, #tpu.memory_space<vmem_shared>>)
      tpu.yield
    }) : () -> ()
    %add3A_5 = arith.constant 64 : i32
    %add3A_6 = arith.addi %mul3A_2, %add3A_5 : i32
    "tpu.region"() ({
      %run_scoped3A = tpu.sem_alloc : memref<!tpu.dma_semaphore, #tpu.memory_space<semaphore_mem>>
      %dma_start3A_38 = arith.constant 0 : i32
      %dma_start3A_39 = tpu.memref_slice %arg13[%add3A_6, %dma_start3A_38] : memref<5120x128xf32, #tpu.memory_space<vmem_shared>> -> memref<64x128xf32, #tpu.memory_space<vmem_shared>>
      %dma_start3A_40 = arith.constant 0 : i32
      %dma_start3A_41 = tpu.memref_slice %arg13[%add3A_6, %dma_start3A_40] : memref<5120x128xf32, #tpu.memory_space<vmem_shared>> -> memref<64x128xf32, #tpu.memory_space<vmem_shared>>
      tpu.enqueue_dma source(%arg12 : memref<64x128xf32, #tpu.memory_space<vmem>>) target(%dma_start3A_41 : memref<64x128xf32, #tpu.memory_space<vmem_shared>>) target_semaphore(%run_scoped3A : memref<!tpu.dma_semaphore, #tpu.memory_space<semaphore_mem>>)
      %dma_wait3A = arith.constant 0 : i32
      %dma_wait3A_42 = tpu.memref_slice %arg13[%add3A_6, %dma_wait3A] : memref<5120x128xf32, #tpu.memory_space<vmem_shared>> -> memref<64x128xf32, #tpu.memory_space<vmem_shared>>
      %dma_wait3A_43 = arith.constant 0 : i32
      %dma_wait3A_44 = tpu.memref_slice %arg13[%add3A_6, %dma_wait3A_43] : memref<5120x128xf32, #tpu.memory_space<vmem_shared>> -> memref<64x128xf32, #tpu.memory_space<vmem_shared>>
      tpu.wait_dma2 semaphore(%run_scoped3A : memref<!tpu.dma_semaphore, #tpu.memory_space<semaphore_mem>>) src(%arg12 : memref<64x128xf32, #tpu.memory_space<vmem>>) dst(%dma_wait3A_44 : memref<64x128xf32, #tpu.memory_space<vmem_shared>>)
      tpu.yield
    }) : () -> ()
    %add3A_7 = arith.constant 128 : i32
    %add3A_8 = arith.addi %mul3A_2, %add3A_7 : i32
    "tpu.region"() ({
      %run_scoped3A = tpu.sem_alloc : memref<!tpu.dma_semaphore, #tpu.memory_space<semaphore_mem>>
      %dma_start3A_38 = arith.constant 0 : i32
      %dma_start3A_39 = tpu.memref_slice %arg13[%add3A_8, %dma_start3A_38] : memref<5120x128xf32, #tpu.memory_space<vmem_shared>> -> memref<64x128xf32, #tpu.memory_space<vmem_shared>>
      %dma_start3A_40 = arith.constant 0 : i32
      %dma_start3A_41 = tpu.memref_slice %arg13[%add3A_8, %dma_start3A_40] : memref<5120x128xf32, #tpu.memory_space<vmem_shared>> -> memref<64x128xf32, #tpu.memory_space<vmem_shared>>
      tpu.enqueue_dma source(%arg12 : memref<64x128xf32, #tpu.memory_space<vmem>>) target(%dma_start3A_41 : memref<64x128xf32, #tpu.memory_space<vmem_shared>>) target_semaphore(%run_scoped3A : memref<!tpu.dma_semaphore, #tpu.memory_space<semaphore_mem>>)
      %dma_wait3A = arith.constant 0 : i32
      %dma_wait3A_42 = tpu.memref_slice %arg13[%add3A_8, %dma_wait3A] : memref<5120x128xf32, #tpu.memory_space<vmem_shared>> -> memref<64x128xf32, #tpu.memory_space<vmem_shared>>
      %dma_wait3A_43 = arith.constant 0 : i32
      %dma_wait3A_44 = tpu.memref_slice %arg13[%add3A_8, %dma_wait3A_43] : memref<5120x128xf32, #tpu.memory_space<vmem_shared>> -> memref<64x128xf32, #tpu.memory_space<vmem_shared>>
      tpu.wait_dma2 semaphore(%run_scoped3A : memref<!tpu.dma_semaphore, #tpu.memory_space<semaphore_mem>>) src(%arg12 : memref<64x128xf32, #tpu.memory_space<vmem>>) dst(%dma_wait3A_44 : memref<64x128xf32, #tpu.memory_space<vmem_shared>>)
      tpu.yield
    }) : () -> ()
    %add3A_9 = arith.constant 192 : i32
    %add3A_10 = arith.addi %mul3A_2, %add3A_9 : i32
    "tpu.region"() ({
      %run_scoped3A = tpu.sem_alloc : memref<!tpu.dma_semaphore, #tpu.memory_space<semaphore_mem>>
      %dma_start3A_38 = arith.constant 0 : i32
      %dma_start3A_39 = tpu.memref_slice %arg13[%add3A_10, %dma_start3A_38] : memref<5120x128xf32, #tpu.memory_space<vmem_shared>> -> memref<64x128xf32, #tpu.memory_space<vmem_shared>>
      %dma_start3A_40 = arith.constant 0 : i32
      %dma_start3A_41 = tpu.memref_slice %arg13[%add3A_10, %dma_start3A_40] : memref<5120x128xf32, #tpu.memory_space<vmem_shared>> -> memref<64x128xf32, #tpu.memory_space<vmem_shared>>
      tpu.enqueue_dma source(%arg12 : memref<64x128xf32, #tpu.memory_space<vmem>>) target(%dma_start3A_41 : memref<64x128xf32, #tpu.memory_space<vmem_shared>>) target_semaphore(%run_scoped3A : memref<!tpu.dma_semaphore, #tpu.memory_space<semaphore_mem>>)
      %dma_wait3A = arith.constant 0 : i32
      %dma_wait3A_42 = tpu.memref_slice %arg13[%add3A_10, %dma_wait3A] : memref<5120x128xf32, #tpu.memory_space<vmem_shared>> -> memref<64x128xf32, #tpu.memory_space<vmem_shared>>
      %dma_wait3A_43 = arith.constant 0 : i32
      %dma_wait3A_44 = tpu.memref_slice %arg13[%add3A_10, %dma_wait3A_43] : memref<5120x128xf32, #tpu.memory_space<vmem_shared>> -> memref<64x128xf32, #tpu.memory_space<vmem_shared>>
      tpu.wait_dma2 semaphore(%run_scoped3A : memref<!tpu.dma_semaphore, #tpu.memory_space<semaphore_mem>>) src(%arg12 : memref<64x128xf32, #tpu.memory_space<vmem>>) dst(%dma_wait3A_44 : memref<64x128xf32, #tpu.memory_space<vmem_shared>>)
      tpu.yield
    }) : () -> ()
    %add3A_11 = arith.constant 256 : i32
    %add3A_12 = arith.addi %mul3A_2, %add3A_11 : i32
    "tpu.region"() ({
      %run_scoped3A = tpu.sem_alloc : memref<!tpu.dma_semaphore, #tpu.memory_space<semaphore_mem>>
      %dma_start3A_38 = arith.constant 0 : i32
      %dma_start3A_39 = tpu.memref_slice %arg13[%add3A_12, %dma_start3A_38] : memref<5120x128xf32, #tpu.memory_space<vmem_shared>> -> memref<64x128xf32, #tpu.memory_space<vmem_shared>>
      %dma_start3A_40 = arith.constant 0 : i32
      %dma_start3A_41 = tpu.memref_slice %arg13[%add3A_12, %dma_start3A_40] : memref<5120x128xf32, #tpu.memory_space<vmem_shared>> -> memref<64x128xf32, #tpu.memory_space<vmem_shared>>
      tpu.enqueue_dma source(%arg12 : memref<64x128xf32, #tpu.memory_space<vmem>>) target(%dma_start3A_41 : memref<64x128xf32, #tpu.memory_space<vmem_shared>>) target_semaphore(%run_scoped3A : memref<!tpu.dma_semaphore, #tpu.memory_space<semaphore_mem>>)
      %dma_wait3A = arith.constant 0 : i32
      %dma_wait3A_42 = tpu.memref_slice %arg13[%add3A_12, %dma_wait3A] : memref<5120x128xf32, #tpu.memory_space<vmem_shared>> -> memref<64x128xf32, #tpu.memory_space<vmem_shared>>
      %dma_wait3A_43 = arith.constant 0 : i32
      %dma_wait3A_44 = tpu.memref_slice %arg13[%add3A_12, %dma_wait3A_43] : memref<5120x128xf32, #tpu.memory_space<vmem_shared>> -> memref<64x128xf32, #tpu.memory_space<vmem_shared>>
      tpu.wait_dma2 semaphore(%run_scoped3A : memref<!tpu.dma_semaphore, #tpu.memory_space<semaphore_mem>>) src(%arg12 : memref<64x128xf32, #tpu.memory_space<vmem>>) dst(%dma_wait3A_44 : memref<64x128xf32, #tpu.memory_space<vmem_shared>>)
      tpu.yield
    }) : () -> ()
    %barrier3A = arith.constant 0 : index
    tpu.barrier barrier_id(%barrier3A)
    %dma_start3A = arith.constant 0 : i32
    %dma_start3A_13 = arith.constant 0 : i32
    %dma_start3A_14 = tpu.memref_slice %arg8[%dma_start3A, %dma_start3A_13] : memref<157x128xi32, #tpu.memory_space<vmem>> -> memref<1x128xi32, #tpu.memory_space<vmem>>
    %dma_start3A_15 = tpu.memref_squeeze %dma_start3A_14 : memref<1x128xi32, #tpu.memory_space<vmem>> -> memref<128xi32, #tpu.memory_space<vmem>>
    %dma_start3A_16 = arith.constant 0 : i32
    %dma_start3A_17 = arith.constant 0 : i32
    %dma_start3A_18 = tpu.memref_slice %arg2[%dma_start3A_16, %dma_start3A_17] : memref<10000x128xf32, #tpu.memory_space<hbm>> -> memref<10000x128xf32, #tpu.memory_space<hbm>>
    tpu.enqueue_indirect_dma source(%dma_start3A_18 : memref<10000x128xf32, #tpu.memory_space<hbm>>) target(%arg10 : memref<128x128xf32, #tpu.memory_space<vmem>>) offsets(%dma_start3A_15 : memref<128xi32, #tpu.memory_space<vmem>>) semaphore(%arg14 : memref<!tpu.dma_semaphore, #tpu.memory_space<semaphore_mem>>)
    %dma_start3A_19 = arith.constant 1 : i32
    %dma_start3A_20 = arith.constant 0 : i32
    %dma_start3A_21 = tpu.memref_slice %arg8[%dma_start3A_19, %dma_start3A_20] : memref<157x128xi32, #tpu.memory_space<vmem>> -> memref<1x128xi32, #tpu.memory_space<vmem>>
    %dma_start3A_22 = tpu.memref_squeeze %dma_start3A_21 : memref<1x128xi32, #tpu.memory_space<vmem>> -> memref<128xi32, #tpu.memory_space<vmem>>
    %dma_start3A_23 = arith.constant 0 : i32
    %dma_start3A_24 = arith.constant 0 : i32
    %dma_start3A_25 = tpu.memref_slice %arg2[%dma_start3A_23, %dma_start3A_24] : memref<10000x128xf32, #tpu.memory_space<hbm>> -> memref<10000x128xf32, #tpu.memory_space<hbm>>
    tpu.enqueue_indirect_dma source(%dma_start3A_25 : memref<10000x128xf32, #tpu.memory_space<hbm>>) target(%arg11 : memref<128x128xf32, #tpu.memory_space<vmem>>) offsets(%dma_start3A_22 : memref<128xi32, #tpu.memory_space<vmem>>) semaphore(%arg15 : memref<!tpu.dma_semaphore, #tpu.memory_space<semaphore_mem>>)
    %scan3A = arith.constant 0 : i32
    %scan3A_26 = arith.constant 79 : i32
    %scan3A_27 = arith.addi %scan3A, %scan3A_26 : i32
    %scan3A_28 = arith.constant 1 : i32
    scf.for %scan3A_38 = %scan3A to %scan3A_27 step %scan3A_28  : i32 {
      %mul3A_39 = arith.constant 2 : i32
      %mul3A_40 = arith.muli %scan3A_38, %mul3A_39 : i32
      %add3A_41 = arith.constant 0 : i32
      %add3A_42 = arith.addi %add3A_41, %mul3A_40 : i32
      %dma_wait3A = arith.constant 0 : i32
      %dma_wait3A_43 = tpu.memref_slice %arg8[%add3A_42, %dma_wait3A] : memref<157x128xi32, #tpu.memory_space<vmem>> -> memref<1x128xi32, #tpu.memory_space<vmem>>
      %dma_wait3A_44 = tpu.memref_squeeze %dma_wait3A_43 : memref<1x128xi32, #tpu.memory_space<vmem>> -> memref<128xi32, #tpu.memory_space<vmem>>
      %dma_wait3A_45 = arith.constant 0 : i32
      %dma_wait3A_46 = arith.constant 0 : i32
      %dma_wait3A_47 = tpu.memref_slice %arg2[%dma_wait3A_45, %dma_wait3A_46] : memref<10000x128xf32, #tpu.memory_space<hbm>> -> memref<10000x128xf32, #tpu.memory_space<hbm>>
      tpu.wait_indirect_dma semaphore(%arg14 : memref<!tpu.dma_semaphore, #tpu.memory_space<semaphore_mem>>) src(%dma_wait3A_47 : memref<10000x128xf32, #tpu.memory_space<hbm>>) dst(%arg10 : memref<128x128xf32, #tpu.memory_space<vmem>>)
      "tpu.region"() ({
        %run_scoped3A = tpu.sem_alloc : memref<!tpu.dma_semaphore, #tpu.memory_space<semaphore_mem>>
        %dma_start3A_61 = arith.constant 0 : i32
        %dma_start3A_62 = tpu.memref_slice %arg9[%add3A_42, %dma_start3A_61] : memref<157x128xi32, #tpu.memory_space<vmem>> -> memref<1x128xi32, #tpu.memory_space<vmem>>
        %dma_start3A_63 = tpu.memref_squeeze %dma_start3A_62 : memref<1x128xi32, #tpu.memory_space<vmem>> -> memref<128xi32, #tpu.memory_space<vmem>>
        %dma_start3A_64 = arith.constant 0 : i32
        %dma_start3A_65 = arith.constant 0 : i32
        %dma_start3A_66 = tpu.memref_slice %arg13[%dma_start3A_64, %dma_start3A_65] : memref<5120x128xf32, #tpu.memory_space<vmem_shared>> -> memref<5120x128xf32, #tpu.memory_space<vmem_shared>>
        tpu.enqueue_indirect_dma source(%arg10 : memref<128x128xf32, #tpu.memory_space<vmem>>) target(%dma_start3A_66 : memref<5120x128xf32, #tpu.memory_space<vmem_shared>>) offsets(%dma_start3A_63 : memref<128xi32, #tpu.memory_space<vmem>>) semaphore(%run_scoped3A : memref<!tpu.dma_semaphore, #tpu.memory_space<semaphore_mem>>) {add = true}
        %dma_wait3A_67 = arith.constant 0 : i32
        %dma_wait3A_68 = tpu.memref_slice %arg9[%add3A_42, %dma_wait3A_67] : memref<157x128xi32, #tpu.memory_space<vmem>> -> memref<1x128xi32, #tpu.memory_space<vmem>>
        %dma_wait3A_69 = tpu.memref_squeeze %dma_wait3A_68 : memref<1x128xi32, #tpu.memory_space<vmem>> -> memref<128xi32, #tpu.memory_space<vmem>>
        %dma_wait3A_70 = arith.constant 0 : i32
        %dma_wait3A_71 = arith.constant 0 : i32
        %dma_wait3A_72 = tpu.memref_slice %arg13[%dma_wait3A_70, %dma_wait3A_71] : memref<5120x128xf32, #tpu.memory_space<vmem_shared>> -> memref<5120x128xf32, #tpu.memory_space<vmem_shared>>
        tpu.wait_indirect_dma semaphore(%run_scoped3A : memref<!tpu.dma_semaphore, #tpu.memory_space<semaphore_mem>>) src(%arg10 : memref<128x128xf32, #tpu.memory_space<vmem>>) dst(%dma_wait3A_72 : memref<5120x128xf32, #tpu.memory_space<vmem_shared>>)
        tpu.yield
      }) : () -> ()
      %add3A_48 = arith.constant 2 : i32
      %add3A_49 = arith.addi %add3A_42, %add3A_48 : i32
      %lt3A = arith.constant 157 : i32
      %lt3A_50 = arith.cmpi slt, %add3A_49, %lt3A : i32
      %convert_element_type3A_51 = arith.extui %lt3A_50 : i1 to i32
      %cond3A_52 = arith.constant 0 : i32
      %cond3A_53 = arith.cmpi ne, %convert_element_type3A_51, %cond3A_52 : i32
      scf.if %cond3A_53 {
        %add3A_61 = arith.constant 2 : i32
        %add3A_62 = arith.addi %add3A_42, %add3A_61 : i32
        %dma_start3A_63 = arith.constant 0 : i32
        %dma_start3A_64 = tpu.memref_slice %arg8[%add3A_62, %dma_start3A_63] : memref<157x128xi32, #tpu.memory_space<vmem>> -> memref<1x128xi32, #tpu.memory_space<vmem>>
        %dma_start3A_65 = tpu.memref_squeeze %dma_start3A_64 : memref<1x128xi32, #tpu.memory_space<vmem>> -> memref<128xi32, #tpu.memory_space<vmem>>
        %dma_start3A_66 = arith.constant 0 : i32
        %dma_start3A_67 = arith.constant 0 : i32
        %dma_start3A_68 = tpu.memref_slice %arg2[%dma_start3A_66, %dma_start3A_67] : memref<10000x128xf32, #tpu.memory_space<hbm>> -> memref<10000x128xf32, #tpu.memory_space<hbm>>
        tpu.enqueue_indirect_dma source(%dma_start3A_68 : memref<10000x128xf32, #tpu.memory_space<hbm>>) target(%arg10 : memref<128x128xf32, #tpu.memory_space<vmem>>) offsets(%dma_start3A_65 : memref<128xi32, #tpu.memory_space<vmem>>) semaphore(%arg14 : memref<!tpu.dma_semaphore, #tpu.memory_space<semaphore_mem>>)
      } else {
      }
      %add3A_54 = arith.constant 1 : i32
      %add3A_55 = arith.addi %add3A_42, %add3A_54 : i32
      %lt3A_56 = arith.constant 157 : i32
      %lt3A_57 = arith.cmpi slt, %add3A_55, %lt3A_56 : i32
      %convert_element_type3A_58 = arith.extui %lt3A_57 : i1 to i32
      %cond3A_59 = arith.constant 0 : i32
      %cond3A_60 = arith.cmpi ne, %convert_element_type3A_58, %cond3A_59 : i32
      scf.if %cond3A_60 {
        %add3A_61 = arith.constant 1 : i32
        %add3A_62 = arith.addi %add3A_42, %add3A_61 : i32
        %dma_wait3A_63 = arith.constant 0 : i32
        %dma_wait3A_64 = tpu.memref_slice %arg8[%add3A_62, %dma_wait3A_63] : memref<157x128xi32, #tpu.memory_space<vmem>> -> memref<1x128xi32, #tpu.memory_space<vmem>>
        %dma_wait3A_65 = tpu.memref_squeeze %dma_wait3A_64 : memref<1x128xi32, #tpu.memory_space<vmem>> -> memref<128xi32, #tpu.memory_space<vmem>>
        %dma_wait3A_66 = arith.constant 0 : i32
        %dma_wait3A_67 = arith.constant 0 : i32
        %dma_wait3A_68 = tpu.memref_slice %arg2[%dma_wait3A_66, %dma_wait3A_67] : memref<10000x128xf32, #tpu.memory_space<hbm>> -> memref<10000x128xf32, #tpu.memory_space<hbm>>
        tpu.wait_indirect_dma semaphore(%arg15 : memref<!tpu.dma_semaphore, #tpu.memory_space<semaphore_mem>>) src(%dma_wait3A_68 : memref<10000x128xf32, #tpu.memory_space<hbm>>) dst(%arg11 : memref<128x128xf32, #tpu.memory_space<vmem>>)
        %add3A_69 = arith.constant 1 : i32
        %add3A_70 = arith.addi %add3A_42, %add3A_69 : i32
        "tpu.region"() ({
          %run_scoped3A = tpu.sem_alloc : memref<!tpu.dma_semaphore, #tpu.memory_space<semaphore_mem>>
          %dma_start3A_78 = arith.constant 0 : i32
          %dma_start3A_79 = tpu.memref_slice %arg9[%add3A_70, %dma_start3A_78] : memref<157x128xi32, #tpu.memory_space<vmem>> -> memref<1x128xi32, #tpu.memory_space<vmem>>
          %dma_start3A_80 = tpu.memref_squeeze %dma_start3A_79 : memref<1x128xi32, #tpu.memory_space<vmem>> -> memref<128xi32, #tpu.memory_space<vmem>>
          %dma_start3A_81 = arith.constant 0 : i32
          %dma_start3A_82 = arith.constant 0 : i32
          %dma_start3A_83 = tpu.memref_slice %arg13[%dma_start3A_81, %dma_start3A_82] : memref<5120x128xf32, #tpu.memory_space<vmem_shared>> -> memref<5120x128xf32, #tpu.memory_space<vmem_shared>>
          tpu.enqueue_indirect_dma source(%arg11 : memref<128x128xf32, #tpu.memory_space<vmem>>) target(%dma_start3A_83 : memref<5120x128xf32, #tpu.memory_space<vmem_shared>>) offsets(%dma_start3A_80 : memref<128xi32, #tpu.memory_space<vmem>>) semaphore(%run_scoped3A : memref<!tpu.dma_semaphore, #tpu.memory_space<semaphore_mem>>) {add = true}
          %dma_wait3A_84 = arith.constant 0 : i32
          %dma_wait3A_85 = tpu.memref_slice %arg9[%add3A_70, %dma_wait3A_84] : memref<157x128xi32, #tpu.memory_space<vmem>> -> memref<1x128xi32, #tpu.memory_space<vmem>>
          %dma_wait3A_86 = tpu.memref_squeeze %dma_wait3A_85 : memref<1x128xi32, #tpu.memory_space<vmem>> -> memref<128xi32, #tpu.memory_space<vmem>>
          %dma_wait3A_87 = arith.constant 0 : i32
          %dma_wait3A_88 = arith.constant 0 : i32
          %dma_wait3A_89 = tpu.memref_slice %arg13[%dma_wait3A_87, %dma_wait3A_88] : memref<5120x128xf32, #tpu.memory_space<vmem_shared>> -> memref<5120x128xf32, #tpu.memory_space<vmem_shared>>
          tpu.wait_indirect_dma semaphore(%run_scoped3A : memref<!tpu.dma_semaphore, #tpu.memory_space<semaphore_mem>>) src(%arg11 : memref<128x128xf32, #tpu.memory_space<vmem>>) dst(%dma_wait3A_89 : memref<5120x128xf32, #tpu.memory_space<vmem_shared>>)
          tpu.yield
        }) : () -> ()
        %add3A_71 = arith.constant 3 : i32
        %add3A_72 = arith.addi %add3A_42, %add3A_71 : i32
        %lt3A_73 = arith.constant 157 : i32
        %lt3A_74 = arith.cmpi slt, %add3A_72, %lt3A_73 : i32
        %convert_element_type3A_75 = arith.extui %lt3A_74 : i1 to i32
        %cond3A_76 = arith.constant 0 : i32
        %cond3A_77 = arith.cmpi ne, %convert_element_type3A_75, %cond3A_76 : i32
        scf.if %cond3A_77 {
          %add3A_78 = arith.constant 3 : i32
          %add3A_79 = arith.addi %add3A_42, %add3A_78 : i32
          %dma_start3A_80 = arith.constant 0 : i32
          %dma_start3A_81 = tpu.memref_slice %arg8[%add3A_79, %dma_start3A_80] : memref<157x128xi32, #tpu.memory_space<vmem>> -> memref<1x128xi32, #tpu.memory_space<vmem>>
          %dma_start3A_82 = tpu.memref_squeeze %dma_start3A_81 : memref<1x128xi32, #tpu.memory_space<vmem>> -> memref<128xi32, #tpu.memory_space<vmem>>
          %dma_start3A_83 = arith.constant 0 : i32
          %dma_start3A_84 = arith.constant 0 : i32
          %dma_start3A_85 = tpu.memref_slice %arg2[%dma_start3A_83, %dma_start3A_84] : memref<10000x128xf32, #tpu.memory_space<hbm>> -> memref<10000x128xf32, #tpu.memory_space<hbm>>
          tpu.enqueue_indirect_dma source(%dma_start3A_85 : memref<10000x128xf32, #tpu.memory_space<hbm>>) target(%arg11 : memref<128x128xf32, #tpu.memory_space<vmem>>) offsets(%dma_start3A_82 : memref<128xi32, #tpu.memory_space<vmem>>) semaphore(%arg15 : memref<!tpu.dma_semaphore, #tpu.memory_space<semaphore_mem>>)
        } else {
        }
      } else {
      }
    }
    %scan3A_29 = arith.constant 79 : i32
    %barrier3A_30 = arith.constant 0 : index
    tpu.barrier barrier_id(%barrier3A_30)
    %eq3A = arith.constant 0 : i32
    %eq3A_31 = arith.cmpi eq, %arg0, %eq3A : i32
    %convert_element_type3A = arith.extui %eq3A_31 : i1 to i32
    %cond3A = arith.constant 0 : i32
    %cond3A_32 = arith.cmpi ne, %convert_element_type3A, %cond3A : i32
    scf.if %cond3A_32 {
      "tpu.region"() ({
        %run_scoped3A = tpu.sem_alloc : memref<!tpu.dma_semaphore, #tpu.memory_space<semaphore_mem>>
        %dma_start3A_38 = arith.constant 0 : i32
        %dma_start3A_39 = tpu.memref_slice %arg6[%mul3A_2, %dma_start3A_38] : memref<5120x128xf32, #tpu.memory_space<hbm>> -> memref<320x128xf32, #tpu.memory_space<hbm>>
        %dma_start3A_40 = arith.constant 0 : i32
        %dma_start3A_41 = tpu.memref_slice %arg13[%mul3A_2, %dma_start3A_40] : memref<5120x128xf32, #tpu.memory_space<vmem_shared>> -> memref<320x128xf32, #tpu.memory_space<vmem_shared>>
        tpu.enqueue_dma source(%dma_start3A_41 : memref<320x128xf32, #tpu.memory_space<vmem_shared>>) target(%dma_start3A_39 : memref<320x128xf32, #tpu.memory_space<hbm>>) target_semaphore(%run_scoped3A : memref<!tpu.dma_semaphore, #tpu.memory_space<semaphore_mem>>)
        %dma_wait3A = arith.constant 0 : i32
        %dma_wait3A_42 = tpu.memref_slice %arg6[%mul3A_2, %dma_wait3A] : memref<5120x128xf32, #tpu.memory_space<hbm>> -> memref<320x128xf32, #tpu.memory_space<hbm>>
        %dma_wait3A_43 = arith.constant 0 : i32
        %dma_wait3A_44 = tpu.memref_slice %arg13[%mul3A_2, %dma_wait3A_43] : memref<5120x128xf32, #tpu.memory_space<vmem_shared>> -> memref<320x128xf32, #tpu.memory_space<vmem_shared>>
        tpu.wait_dma2 semaphore(%run_scoped3A : memref<!tpu.dma_semaphore, #tpu.memory_space<semaphore_mem>>) src(%dma_wait3A_44 : memref<320x128xf32, #tpu.memory_space<vmem_shared>>) dst(%dma_wait3A_42 : memref<320x128xf32, #tpu.memory_space<hbm>>)
        tpu.yield
      }) : () -> ()
    } else {
    }
    %eq3A_33 = arith.constant 1 : i32
    %eq3A_34 = arith.cmpi eq, %arg0, %eq3A_33 : i32
    %convert_element_type3A_35 = arith.extui %eq3A_34 : i1 to i32
    %cond3A_36 = arith.constant 0 : i32
    %cond3A_37 = arith.cmpi ne, %convert_element_type3A_35, %cond3A_36 : i32
    scf.if %cond3A_37 {
      "tpu.region"() ({
        %run_scoped3A = tpu.sem_alloc : memref<!tpu.dma_semaphore, #tpu.memory_space<semaphore_mem>>
        %dma_start3A_38 = arith.constant 0 : i32
        %dma_start3A_39 = tpu.memref_slice %arg7[%mul3A_2, %dma_start3A_38] : memref<5120x128xf32, #tpu.memory_space<hbm>> -> memref<320x128xf32, #tpu.memory_space<hbm>>
        %dma_start3A_40 = arith.constant 0 : i32
        %dma_start3A_41 = tpu.memref_slice %arg13[%mul3A_2, %dma_start3A_40] : memref<5120x128xf32, #tpu.memory_space<vmem_shared>> -> memref<320x128xf32, #tpu.memory_space<vmem_shared>>
        tpu.enqueue_dma source(%dma_start3A_41 : memref<320x128xf32, #tpu.memory_space<vmem_shared>>) target(%dma_start3A_39 : memref<320x128xf32, #tpu.memory_space<hbm>>) target_semaphore(%run_scoped3A : memref<!tpu.dma_semaphore, #tpu.memory_space<semaphore_mem>>)
        %dma_wait3A = arith.constant 0 : i32
        %dma_wait3A_42 = tpu.memref_slice %arg7[%mul3A_2, %dma_wait3A] : memref<5120x128xf32, #tpu.memory_space<hbm>> -> memref<320x128xf32, #tpu.memory_space<hbm>>
        %dma_wait3A_43 = arith.constant 0 : i32
        %dma_wait3A_44 = tpu.memref_slice %arg13[%mul3A_2, %dma_wait3A_43] : memref<5120x128xf32, #tpu.memory_space<vmem_shared>> -> memref<320x128xf32, #tpu.memory_space<vmem_shared>>
        tpu.wait_dma2 semaphore(%run_scoped3A : memref<!tpu.dma_semaphore, #tpu.memory_space<semaphore_mem>>) src(%dma_wait3A_44 : memref<320x128xf32, #tpu.memory_space<vmem_shared>>) dst(%dma_wait3A_42 : memref<320x128xf32, #tpu.memory_space<hbm>>)
        tpu.yield
      }) : () -> ()
    } else {
    }
    return
  }
}

module attributes {stable_mosaic.version = 14 : i64} {
  func.func @_mlp_body(%arg0: i32, %arg1: memref<5000x128xf32, #tpu.memory_space<vmem>>, %arg2: memref<5000x128xf32, #tpu.memory_space<vmem>>, %arg3: memref<1x128xf32, #tpu.memory_space<vmem>>, %arg4: memref<128x128xf32, #tpu.memory_space<vmem>>, %arg5: memref<1x128xf32, #tpu.memory_space<vmem>>, %arg6: memref<128x128xf32, #tpu.memory_space<vmem>>, %arg7: memref<1x128xf32, #tpu.memory_space<vmem>>, %arg8: memref<5000x128xf32, #tpu.memory_space<vmem>>) attributes {dimension_semantics = [#tpu.dimension_semantics<arbitrary>], iteration_bounds = array<i64: 2>, scalar_prefetch = 0 : i64, scratch_operands = 0 : i64, tpu.core_type = #tpu.core_type<tc>, window_params = [{transform_indices = @transform_0, window_bounds = array<i64: 5000, 128>}, {transform_indices = @transform_1, window_bounds = array<i64: 5000, 128>}, {pipeline_mode = #tpu.pipeline_mode<synchronous>, transform_indices = @transform_2, window_bounds = array<i64: 1, 128>}, {pipeline_mode = #tpu.pipeline_mode<synchronous>, transform_indices = @transform_3, window_bounds = array<i64: 128, 128>}, {pipeline_mode = #tpu.pipeline_mode<synchronous>, transform_indices = @transform_4, window_bounds = array<i64: 1, 128>}, {pipeline_mode = #tpu.pipeline_mode<synchronous>, transform_indices = @transform_5, window_bounds = array<i64: 128, 128>}, {pipeline_mode = #tpu.pipeline_mode<synchronous>, transform_indices = @transform_6, window_bounds = array<i64: 1, 128>}, {transform_indices = @transform_7, window_bounds = array<i64: 5000, 128>}]} {
    %get3A = arith.constant 0 : index
    %get3A_0 = arith.constant 0 : index
    %get3A_1 = vector.load %arg1[%get3A, %get3A_0] : memref<5000x128xf32, #tpu.memory_space<vmem>>, vector<5000x128xf32>
    %get3A_2 = arith.constant 0 : index
    %get3A_3 = arith.constant 0 : index
    %get3A_4 = vector.load %arg3[%get3A_2, %get3A_3] : memref<1x128xf32, #tpu.memory_space<vmem>>, vector<1x128xf32>
    %mul3A = vector.broadcast %get3A_4 : vector<1x128xf32> to vector<5000x128xf32>
    %mul3A_5 = arith.mulf %get3A_1, %mul3A : vector<5000x128xf32>
    %get3A_6 = arith.constant 0 : index
    %get3A_7 = arith.constant 0 : index
    %get3A_8 = vector.load %arg2[%get3A_6, %get3A_7] : memref<5000x128xf32, #tpu.memory_space<vmem>>, vector<5000x128xf32>
    %add3A = arith.addf %mul3A_5, %get3A_8 : vector<5000x128xf32>
    %get3A_9 = arith.constant 0 : index
    %get3A_10 = arith.constant 0 : index
    %get3A_11 = vector.load %arg4[%get3A_9, %get3A_10] : memref<128x128xf32, #tpu.memory_space<vmem>>, vector<128x128xf32>
    %dot_general3A = arith.constant dense<0.000000e+00> : vector<5000x128xf32>
    %dot_general3A_12 = tpu.matmul %add3A, %get3A_11, %dot_general3A {dimension_numbers = #tpu.dot_dimension_numbers<[1], [0], [0], [1], [0, 0, 1, 1], [], []>, precision = #tpu.contract_precision<fp32>, transpose_lhs_hint = false} : vector<5000x128xf32>, vector<128x128xf32>, vector<5000x128xf32> -> vector<5000x128xf32>
    %get3A_13 = arith.constant 0 : index
    %get3A_14 = arith.constant 0 : index
    %get3A_15 = vector.load %arg5[%get3A_13, %get3A_14] : memref<1x128xf32, #tpu.memory_space<vmem>>, vector<1x128xf32>
    %add3A_16 = vector.broadcast %get3A_15 : vector<1x128xf32> to vector<5000x128xf32>
    %add3A_17 = arith.addf %dot_general3A_12, %add3A_16 : vector<5000x128xf32>
    %max3A = arith.constant 0.000000e+00 : f32
    %max3A_18 = vector.broadcast %max3A : f32 to vector<5000x128xf32>
    %max3A_19 = arith.maximumf %add3A_17, %max3A_18 : vector<5000x128xf32>
    %get3A_20 = arith.constant 0 : index
    %get3A_21 = arith.constant 0 : index
    %get3A_22 = vector.load %arg6[%get3A_20, %get3A_21] : memref<128x128xf32, #tpu.memory_space<vmem>>, vector<128x128xf32>
    %dot_general3A_23 = arith.constant dense<0.000000e+00> : vector<5000x128xf32>
    %dot_general3A_24 = tpu.matmul %max3A_19, %get3A_22, %dot_general3A_23 {dimension_numbers = #tpu.dot_dimension_numbers<[1], [0], [0], [1], [0, 0, 1, 1], [], []>, precision = #tpu.contract_precision<fp32>, transpose_lhs_hint = false} : vector<5000x128xf32>, vector<128x128xf32>, vector<5000x128xf32> -> vector<5000x128xf32>
    %get3A_25 = arith.constant 0 : index
    %get3A_26 = arith.constant 0 : index
    %get3A_27 = vector.load %arg7[%get3A_25, %get3A_26] : memref<1x128xf32, #tpu.memory_space<vmem>>, vector<1x128xf32>
    %add3A_28 = vector.broadcast %get3A_27 : vector<1x128xf32> to vector<5000x128xf32>
    %add3A_29 = arith.addf %dot_general3A_24, %add3A_28 : vector<5000x128xf32>
    %max3A_30 = arith.constant 0.000000e+00 : f32
    %max3A_31 = vector.broadcast %max3A_30 : f32 to vector<5000x128xf32>
    %max3A_32 = arith.maximumf %add3A_29, %max3A_31 : vector<5000x128xf32>
    %swap3A = arith.constant 0 : index
    %swap3A_33 = arith.constant 0 : index
    %swap3A_34 = vector.load %arg8[%swap3A, %swap3A_33] : memref<5000x128xf32, #tpu.memory_space<vmem>>, vector<5000x128xf32>
    tpu.vector_store %arg8[%swap3A, %swap3A_33], %max3A_32 {strides = array<i32>} : memref<5000x128xf32, #tpu.memory_space<vmem>>, vector<5000x128xf32>,
    return
  }
  func.func @transform_0(%arg0: i32) -> (i32, i32) {
    %c0_i32 = arith.constant 0 : i32
    %c0_i32_0 = arith.constant 0 : i32
    return %arg0, %c0_i32 : i32, i32
  }
  func.func @transform_1(%arg0: i32) -> (i32, i32) {
    %c0_i32 = arith.constant 0 : i32
    %c0_i32_0 = arith.constant 0 : i32
    return %arg0, %c0_i32 : i32, i32
  }
  func.func @transform_2(%arg0: i32) -> (i32, i32) {
    %c0_i32 = arith.constant 0 : i32
    %c0_i32_0 = arith.constant 0 : i32
    %c0_i32_1 = arith.constant 0 : i32
    return %c0_i32, %c0_i32_0 : i32, i32
  }
  func.func @transform_3(%arg0: i32) -> (i32, i32) {
    %c0_i32 = arith.constant 0 : i32
    %c0_i32_0 = arith.constant 0 : i32
    %c0_i32_1 = arith.constant 0 : i32
    return %c0_i32, %c0_i32_0 : i32, i32
  }
  func.func @transform_4(%arg0: i32) -> (i32, i32) {
    %c0_i32 = arith.constant 0 : i32
    %c0_i32_0 = arith.constant 0 : i32
    %c0_i32_1 = arith.constant 0 : i32
    return %c0_i32, %c0_i32_0 : i32, i32
  }
  func.func @transform_5(%arg0: i32) -> (i32, i32) {
    %c0_i32 = arith.constant 0 : i32
    %c0_i32_0 = arith.constant 0 : i32
    %c0_i32_1 = arith.constant 0 : i32
    return %c0_i32, %c0_i32_0 : i32, i32
  }
  func.func @transform_6(%arg0: i32) -> (i32, i32) {
    %c0_i32 = arith.constant 0 : i32
    %c0_i32_0 = arith.constant 0 : i32
    %c0_i32_1 = arith.constant 0 : i32
    return %c0_i32, %c0_i32_0 : i32, i32
  }
  func.func @transform_7(%arg0: i32) -> (i32, i32) {
    %c0_i32 = arith.constant 0 : i32
    %c0_i32_0 = arith.constant 0 : i32
    return %arg0, %c0_i32 : i32, i32
  }
}

module attributes {stable_mosaic.version = 14 : i64} {
  func.func @_bn_body(%arg0: memref<10000x128xf32, #tpu.memory_space<vmem>>, %arg1: memref<1x128xf32, #tpu.memory_space<vmem>>, %arg2: memref<1x128xf32, #tpu.memory_space<vmem>>, %arg3: memref<10000x128xf32, #tpu.memory_space<vmem>>) attributes {dimension_semantics = [], scalar_prefetch = 0 : i64, scratch_operands = 0 : i64, tpu.core_type = #tpu.core_type<tc>} {
    %get3A = arith.constant 0 : index
    %get3A_0 = arith.constant 0 : index
    %get3A_1 = vector.load %arg0[%get3A, %get3A_0] : memref<10000x128xf32, #tpu.memory_space<vmem>>, vector<10000x128xf32>
    %reduce_sum3A = arith.constant dense<0.000000e+00> : vector<128xf32>
    %reduce_sum3A_2 = vector.multi_reduction <add>, %get3A_1, %reduce_sum3A [0] : vector<10000x128xf32> to vector<128xf32>
    %broadcast_in_dim3A = vector.shape_cast %reduce_sum3A_2 : vector<128xf32> to vector<1x128xf32>
    %div3A = arith.constant 1.000000e+04 : f32
    %div3A_3 = vector.broadcast %div3A : f32 to vector<1x128xf32>
    %div3A_4 = arith.divf %broadcast_in_dim3A, %div3A_3 : vector<1x128xf32>
    %sub3A = vector.broadcast %div3A_4 : vector<1x128xf32> to vector<10000x128xf32>
    %sub3A_5 = arith.subf %get3A_1, %sub3A : vector<10000x128xf32>
    %mul3A = arith.mulf %sub3A_5, %sub3A_5 : vector<10000x128xf32>
    %reduce_sum3A_6 = arith.constant dense<0.000000e+00> : vector<128xf32>
    %reduce_sum3A_7 = vector.multi_reduction <add>, %mul3A, %reduce_sum3A_6 [0] : vector<10000x128xf32> to vector<128xf32>
    %broadcast_in_dim3A_8 = vector.shape_cast %reduce_sum3A_7 : vector<128xf32> to vector<1x128xf32>
    %div3A_9 = arith.constant 1.000000e+04 : f32
    %div3A_10 = vector.broadcast %div3A_9 : f32 to vector<1x128xf32>
    %div3A_11 = arith.divf %broadcast_in_dim3A_8, %div3A_10 : vector<1x128xf32>
    %add3A = arith.constant 9.99999974E-6 : f32
    %add3A_12 = vector.broadcast %add3A : f32 to vector<1x128xf32>
    %add3A_13 = arith.addf %div3A_11, %add3A_12 : vector<1x128xf32>
    %rsqrt3A = math.rsqrt %add3A_13 : vector<1x128xf32>
    %mul3A_14 = vector.broadcast %rsqrt3A : vector<1x128xf32> to vector<10000x128xf32>
    %mul3A_15 = arith.mulf %sub3A_5, %mul3A_14 : vector<10000x128xf32>
    %get3A_16 = arith.constant 0 : index
    %get3A_17 = arith.constant 0 : index
    %get3A_18 = vector.load %arg1[%get3A_16, %get3A_17] : memref<1x128xf32, #tpu.memory_space<vmem>>, vector<1x128xf32>
    %mul3A_19 = vector.broadcast %get3A_18 : vector<1x128xf32> to vector<10000x128xf32>
    %mul3A_20 = arith.mulf %mul3A_15, %mul3A_19 : vector<10000x128xf32>
    %get3A_21 = arith.constant 0 : index
    %get3A_22 = arith.constant 0 : index
    %get3A_23 = vector.load %arg2[%get3A_21, %get3A_22] : memref<1x128xf32, #tpu.memory_space<vmem>>, vector<1x128xf32>
    %add3A_24 = vector.broadcast %get3A_23 : vector<1x128xf32> to vector<10000x128xf32>
    %add3A_25 = arith.addf %mul3A_20, %add3A_24 : vector<10000x128xf32>
    %swap3A = arith.constant 0 : index
    %swap3A_26 = arith.constant 0 : index
    %swap3A_27 = vector.load %arg3[%swap3A, %swap3A_26] : memref<10000x128xf32, #tpu.memory_space<vmem>>, vector<10000x128xf32>
    tpu.vector_store %arg3[%swap3A, %swap3A_26], %add3A_25 {strides = array<i32>} : memref<10000x128xf32, #tpu.memory_space<vmem>>, vector<10000x128xf32>,
    return
  }
}

module attributes {stable_mosaic.version = 14 : i64} {
  func.func @_head_body(%arg0: memref<10000x128xf32, #tpu.memory_space<vmem>>, %arg1: memref<1x10000xi32, #tpu.memory_space<vmem>>, %arg2: memref<64x256xf32, #tpu.memory_space<vmem>>, %arg3: memref<256x1024xf32, #tpu.memory_space<vmem>>, %arg4: memref<1x1024xf32, #tpu.memory_space<vmem>>, %arg5: memref<216x64xf32, #tpu.memory_space<vmem>>, %arg6: memref<1x64xf32, #tpu.memory_space<vmem>>, %arg7: memref<64x64xf32, #tpu.memory_space<vmem>>, %arg8: memref<1x64xf32, #tpu.memory_space<vmem>>, %arg9: memref<128x128xf32, #tpu.memory_space<vmem>>, %arg10: memref<1x128xf32, #tpu.memory_space<vmem>>, %arg11: memref<128x64xf32, #tpu.memory_space<vmem>>, %arg12: memref<64x64xf32, #tpu.memory_space<vmem>>, %arg13: memref<1x64xf32, #tpu.memory_space<vmem>>, %arg14: memref<64x10xf32, #tpu.memory_space<vmem>>, %arg15: memref<1x10xf32, #tpu.memory_space<vmem>>, %arg16: memref<64x10xf32, #tpu.memory_space<vmem>>) attributes {dimension_semantics = [], scalar_prefetch = 0 : i64, scratch_operands = 0 : i64, tpu.core_type = #tpu.core_type<tc>} {
    %get3A = arith.constant 0 : index
    %get3A_0 = arith.constant 0 : index
    %get3A_1 = vector.load %arg2[%get3A, %get3A_0] : memref<64x256xf32, #tpu.memory_space<vmem>>, vector<64x256xf32>
    %get3A_2 = arith.constant 0 : index
    %get3A_3 = arith.constant 0 : index
    %get3A_4 = vector.load %arg3[%get3A_2, %get3A_3] : memref<256x1024xf32, #tpu.memory_space<vmem>>, vector<256x1024xf32>
    %dot_general3A = arith.constant dense<0.000000e+00> : vector<64x1024xf32>
    %dot_general3A_5 = tpu.matmul %get3A_1, %get3A_4, %dot_general3A {dimension_numbers = #tpu.dot_dimension_numbers<[1], [0], [0], [1], [0, 0, 1, 1], [], []>, precision = #tpu.contract_precision<fp32>, transpose_lhs_hint = false} : vector<64x256xf32>, vector<256x1024xf32>, vector<64x1024xf32> -> vector<64x1024xf32>
    %get3A_6 = arith.constant 0 : index
    %get3A_7 = arith.constant 0 : index
    %get3A_8 = vector.load %arg4[%get3A_6, %get3A_7] : memref<1x1024xf32, #tpu.memory_space<vmem>>, vector<1x1024xf32>
    %add3A = vector.broadcast %get3A_8 : vector<1x1024xf32> to vector<64x1024xf32>
    %add3A_9 = arith.addf %dot_general3A_5, %add3A : vector<64x1024xf32>
    %slice3A = vector.extract_strided_slice %add3A_9 {offsets = [0, 0], sizes = [64, 256], strides = [1, 1]} : vector<64x1024xf32> to vector<64x256xf32>
    %slice3A_10 = vector.extract_strided_slice %add3A_9 {offsets = [0, 256], sizes = [64, 256], strides = [1, 1]} : vector<64x1024xf32> to vector<64x256xf32>
    %max3A = arith.maximumf %slice3A, %slice3A_10 : vector<64x256xf32>
    %slice3A_11 = vector.extract_strided_slice %add3A_9 {offsets = [0, 512], sizes = [64, 256], strides = [1, 1]} : vector<64x1024xf32> to vector<64x256xf32>
    %slice3A_12 = vector.extract_strided_slice %add3A_9 {offsets = [0, 768], sizes = [64, 256], strides = [1, 1]} : vector<64x1024xf32> to vector<64x256xf32>
    %max3A_13 = arith.maximumf %slice3A_11, %slice3A_12 : vector<64x256xf32>
    %max3A_14 = arith.maximumf %max3A, %max3A_13 : vector<64x256xf32>
    %slice3A_15 = vector.extract_strided_slice %max3A_14 {offsets = [0, 0], sizes = [64, 216], strides = [1, 1]} : vector<64x256xf32> to vector<64x216xf32>
    %max3A_16 = arith.constant 0.000000e+00 : f32
    %max3A_17 = vector.broadcast %max3A_16 : f32 to vector<64x216xf32>
    %max3A_18 = arith.maximumf %slice3A_15, %max3A_17 : vector<64x216xf32>
    %get3A_19 = arith.constant 0 : index
    %get3A_20 = arith.constant 0 : index
    %get3A_21 = vector.load %arg5[%get3A_19, %get3A_20] : memref<216x64xf32, #tpu.memory_space<vmem>>, vector<216x64xf32>
    %dot_general3A_22 = arith.constant dense<0.000000e+00> : vector<64x64xf32>
    %dot_general3A_23 = tpu.matmul %max3A_18, %get3A_21, %dot_general3A_22 {dimension_numbers = #tpu.dot_dimension_numbers<[1], [0], [0], [1], [0, 0, 1, 1], [], []>, precision = #tpu.contract_precision<fp32>, transpose_lhs_hint = false} : vector<64x216xf32>, vector<216x64xf32>, vector<64x64xf32> -> vector<64x64xf32>
    %get3A_24 = arith.constant 0 : index
    %get3A_25 = arith.constant 0 : index
    %get3A_26 = vector.load %arg6[%get3A_24, %get3A_25] : memref<1x64xf32, #tpu.memory_space<vmem>>, vector<1x64xf32>
    %add3A_27 = vector.broadcast %get3A_26 : vector<1x64xf32> to vector<64x64xf32>
    %add3A_28 = arith.addf %dot_general3A_23, %add3A_27 : vector<64x64xf32>
    %max3A_29 = arith.constant 0.000000e+00 : f32
    %max3A_30 = vector.broadcast %max3A_29 : f32 to vector<64x64xf32>
    %max3A_31 = arith.maximumf %add3A_28, %max3A_30 : vector<64x64xf32>
    %get3A_32 = arith.constant 0 : index
    %get3A_33 = arith.constant 0 : index
    %get3A_34 = vector.load %arg7[%get3A_32, %get3A_33] : memref<64x64xf32, #tpu.memory_space<vmem>>, vector<64x64xf32>
    %dot_general3A_35 = arith.constant dense<0.000000e+00> : vector<64x64xf32>
    %dot_general3A_36 = tpu.matmul %max3A_31, %get3A_34, %dot_general3A_35 {dimension_numbers = #tpu.dot_dimension_numbers<[1], [0], [0], [1], [0, 0, 1, 1], [], []>, precision = #tpu.contract_precision<fp32>, transpose_lhs_hint = false} : vector<64x64xf32>, vector<64x64xf32>, vector<64x64xf32> -> vector<64x64xf32>
    %get3A_37 = arith.constant 0 : index
    %get3A_38 = arith.constant 0 : index
    %get3A_39 = vector.load %arg8[%get3A_37, %get3A_38] : memref<1x64xf32, #tpu.memory_space<vmem>>, vector<1x64xf32>
    %add3A_40 = vector.broadcast %get3A_39 : vector<1x64xf32> to vector<64x64xf32>
    %add3A_41 = arith.addf %dot_general3A_36, %add3A_40 : vector<64x64xf32>
    %max3A_42 = arith.constant 0.000000e+00 : f32
    %max3A_43 = vector.broadcast %max3A_42 : f32 to vector<64x64xf32>
    %max3A_44 = arith.maximumf %add3A_41, %max3A_43 : vector<64x64xf32>
    %get3A_45 = arith.constant 0 : index
    %get3A_46 = arith.constant 0 : index
    %get3A_47 = vector.load %arg1[%get3A_45, %get3A_46] : memref<1x10000xi32, #tpu.memory_space<vmem>>, vector<1x10000xi32>
    %iota3A = tpu.iota {dimensions = array<i32: 0>} : vector<64x10000xi32>
    %eq3A = vector.broadcast %get3A_47 : vector<1x10000xi32> to vector<64x10000xi32>
    %eq3A_48 = arith.cmpi eq, %eq3A, %iota3A : vector<64x10000xi32>
    %convert_element_type3A = arith.extui %eq3A_48 : vector<64x10000xi1> to vector<64x10000xi32>
    %convert_element_type3A_49 = arith.sitofp %convert_element_type3A : vector<64x10000xi32> to vector<64x10000xf32>
    %get3A_50 = arith.constant 0 : index
    %get3A_51 = arith.constant 0 : index
    %get3A_52 = vector.load %arg0[%get3A_50, %get3A_51] : memref<10000x128xf32, #tpu.memory_space<vmem>>, vector<10000x128xf32>
    %dot_general3A_53 = arith.constant dense<0.000000e+00> : vector<64x128xf32>
    %dot_general3A_54 = tpu.matmul %convert_element_type3A_49, %get3A_52, %dot_general3A_53 {dimension_numbers = #tpu.dot_dimension_numbers<[1], [0], [0], [1], [0, 0, 1, 1], [], []>, precision = #tpu.contract_precision<fp32>, transpose_lhs_hint = false} : vector<64x10000xf32>, vector<10000x128xf32>, vector<64x128xf32> -> vector<64x128xf32>
    %reduce_sum3A = arith.constant dense<0.000000e+00> : vector<64xf32>
    %reduce_sum3A_55 = vector.multi_reduction <add>, %convert_element_type3A_49, %reduce_sum3A [1] : vector<64x10000xf32> to vector<64xf32>
    %broadcast_in_dim3A = vector.shape_cast %reduce_sum3A_55 : vector<64xf32> to vector<64x1xf32>
    %max3A_56 = arith.constant 1.000000e+00 : f32
    %max3A_57 = vector.broadcast %max3A_56 : f32 to vector<64x1xf32>
    %max3A_58 = arith.maximumf %broadcast_in_dim3A, %max3A_57 : vector<64x1xf32>
    %div3A = vector.broadcast %max3A_58 : vector<64x1xf32> to vector<64x128xf32>
    %div3A_59 = arith.divf %dot_general3A_54, %div3A : vector<64x128xf32>
    %get3A_60 = arith.constant 0 : index
    %get3A_61 = arith.constant 0 : index
    %get3A_62 = vector.load %arg9[%get3A_60, %get3A_61] : memref<128x128xf32, #tpu.memory_space<vmem>>, vector<128x128xf32>
    %dot_general3A_63 = arith.constant dense<0.000000e+00> : vector<64x128xf32>
    %dot_general3A_64 = tpu.matmul %div3A_59, %get3A_62, %dot_general3A_63 {dimension_numbers = #tpu.dot_dimension_numbers<[1], [0], [0], [1], [0, 0, 1, 1], [], []>, precision = #tpu.contract_precision<fp32>, transpose_lhs_hint = false} : vector<64x128xf32>, vector<128x128xf32>, vector<64x128xf32> -> vector<64x128xf32>
    %get3A_65 = arith.constant 0 : index
    %get3A_66 = arith.constant 0 : index
    %get3A_67 = vector.load %arg10[%get3A_65, %get3A_66] : memref<1x128xf32, #tpu.memory_space<vmem>>, vector<1x128xf32>
    %add3A_68 = vector.broadcast %get3A_67 : vector<1x128xf32> to vector<64x128xf32>
    %add3A_69 = arith.addf %dot_general3A_64, %add3A_68 : vector<64x128xf32>
    %max3A_70 = arith.constant 0.000000e+00 : f32
    %max3A_71 = vector.broadcast %max3A_70 : f32 to vector<64x128xf32>
    %max3A_72 = arith.maximumf %add3A_69, %max3A_71 : vector<64x128xf32>
    %get3A_73 = arith.constant 0 : index
    %get3A_74 = arith.constant 0 : index
    %get3A_75 = vector.load %arg11[%get3A_73, %get3A_74] : memref<128x64xf32, #tpu.memory_space<vmem>>, vector<128x64xf32>
    %dot_general3A_76 = arith.constant dense<0.000000e+00> : vector<64x64xf32>
    %dot_general3A_77 = tpu.matmul %max3A_72, %get3A_75, %dot_general3A_76 {dimension_numbers = #tpu.dot_dimension_numbers<[1], [0], [0], [1], [0, 0, 1, 1], [], []>, precision = #tpu.contract_precision<fp32>, transpose_lhs_hint = false} : vector<64x128xf32>, vector<128x64xf32>, vector<64x64xf32> -> vector<64x64xf32>
    %get3A_78 = arith.constant 0 : index
    %get3A_79 = arith.constant 0 : index
    %get3A_80 = vector.load %arg12[%get3A_78, %get3A_79] : memref<64x64xf32, #tpu.memory_space<vmem>>, vector<64x64xf32>
    %dot_general3A_81 = arith.constant dense<0.000000e+00> : vector<64x64xf32>
    %dot_general3A_82 = tpu.matmul %max3A_44, %get3A_80, %dot_general3A_81 {dimension_numbers = #tpu.dot_dimension_numbers<[1], [0], [0], [1], [0, 0, 1, 1], [], []>, precision = #tpu.contract_precision<fp32>, transpose_lhs_hint = false} : vector<64x64xf32>, vector<64x64xf32>, vector<64x64xf32> -> vector<64x64xf32>
    %add3A_83 = arith.addf %dot_general3A_77, %dot_general3A_82 : vector<64x64xf32>
    %get3A_84 = arith.constant 0 : index
    %get3A_85 = arith.constant 0 : index
    %get3A_86 = vector.load %arg13[%get3A_84, %get3A_85] : memref<1x64xf32, #tpu.memory_space<vmem>>, vector<1x64xf32>
    %add3A_87 = vector.broadcast %get3A_86 : vector<1x64xf32> to vector<64x64xf32>
    %add3A_88 = arith.addf %add3A_83, %add3A_87 : vector<64x64xf32>
    %max3A_89 = arith.constant 0.000000e+00 : f32
    %max3A_90 = vector.broadcast %max3A_89 : f32 to vector<64x64xf32>
    %max3A_91 = arith.maximumf %add3A_88, %max3A_90 : vector<64x64xf32>
    %get3A_92 = arith.constant 0 : index
    %get3A_93 = arith.constant 0 : index
    %get3A_94 = vector.load %arg14[%get3A_92, %get3A_93] : memref<64x10xf32, #tpu.memory_space<vmem>>, vector<64x10xf32>
    %dot_general3A_95 = arith.constant dense<0.000000e+00> : vector<64x10xf32>
    %dot_general3A_96 = tpu.matmul %max3A_91, %get3A_94, %dot_general3A_95 {dimension_numbers = #tpu.dot_dimension_numbers<[1], [0], [0], [1], [0, 0, 1, 1], [], []>, precision = #tpu.contract_precision<fp32>, transpose_lhs_hint = false} : vector<64x64xf32>, vector<64x10xf32>, vector<64x10xf32> -> vector<64x10xf32>
    %get3A_97 = arith.constant 0 : index
    %get3A_98 = arith.constant 0 : index
    %get3A_99 = vector.load %arg15[%get3A_97, %get3A_98] : memref<1x10xf32, #tpu.memory_space<vmem>>, vector<1x10xf32>
    %add3A_100 = vector.broadcast %get3A_99 : vector<1x10xf32> to vector<64x10xf32>
    %add3A_101 = arith.addf %dot_general3A_96, %add3A_100 : vector<64x10xf32>
    %reduce_max3A = arith.constant dense<0xFF800000> : vector<64xf32>
    %reduce_max3A_102 = vector.multi_reduction <maximumf>, %add3A_101, %reduce_max3A [1] : vector<64x10xf32> to vector<64xf32>
    %broadcast_in_dim3A_103 = vector.shape_cast %reduce_max3A_102 : vector<64xf32> to vector<64x1xf32>
    %sub3A = vector.broadcast %broadcast_in_dim3A_103 : vector<64x1xf32> to vector<64x10xf32>
    %sub3A_104 = arith.subf %add3A_101, %sub3A : vector<64x10xf32>
    %exp3A = math.exp %sub3A_104 : vector<64x10xf32>
    %reduce_sum3A_105 = arith.constant dense<0.000000e+00> : vector<64xf32>
    %reduce_sum3A_106 = vector.multi_reduction <add>, %exp3A, %reduce_sum3A_105 [1] : vector<64x10xf32> to vector<64xf32>
    %broadcast_in_dim3A_107 = vector.shape_cast %reduce_sum3A_106 : vector<64xf32> to vector<64x1xf32>
    %log3A = math.log %broadcast_in_dim3A_107 : vector<64x1xf32>
    %add3A_108 = arith.addf %broadcast_in_dim3A_103, %log3A : vector<64x1xf32>
    %sub3A_109 = vector.broadcast %add3A_108 : vector<64x1xf32> to vector<64x10xf32>
    %sub3A_110 = arith.subf %add3A_101, %sub3A_109 : vector<64x10xf32>
    %swap3A = arith.constant 0 : index
    %swap3A_111 = arith.constant 0 : index
    %swap3A_112 = vector.load %arg16[%swap3A, %swap3A_111] : memref<64x10xf32, #tpu.memory_space<vmem>>, vector<64x10xf32>
    tpu.vector_store %arg16[%swap3A, %swap3A_111], %sub3A_110 {strides = array<i32>} : memref<64x10xf32, #tpu.memory_space<vmem>>, vector<64x10xf32>,
    return
  }
}

</mosaic_0001>

<sc_bundles>
// kernel: kernel.12.cloned.1.call-start
scs
__scs_entry_jumppad:
0x0: {  	(pc) =	sbr.rel $0x88, $3  }
0x1: {  	(tag) =	ssettag $0x0;
	lr =	simm.s32 $0x1  }
0x2: {  	[smem:$0x3F7C] =	sst lr;
	_ =	strace $0xD0000000  }
0x3: {  	_ = 	snop  }
0x4: {  	_ = 	snop  }
0x5: {  	_ = 	snop  }
0x6: {  	_ = 	snop  }
0x7: {  	_ = 	snop  }
__scs_overlays_trampoline_lowered:
0x8: {  	[smem:$0x3F8B] =	sst s0  }
0x9: {  	[smem:$0x3F8C] =	sst s1  }
0xa: {  	[smem:$0x3F8D] =	sst s2  }
0xb: {  	[smem:$0x3F8E] =	sst s3  }
0xc: {  	[smem:$0x3F8F] =	sst s4  }
0xd: {  	[smem:$0x3F90] =	sst s5  }
0xe: {  	[smem:$0x3F91] =	sst s6  }
0xf: {  	[smem:$0x3F92] =	sst s7  }
0x10: {  	[smem:$0x3F93] =	sst s8  }
0x11: {  	[smem:$0x3F94] =	sst s9;
	s0 =	simm.s32 @!p0 $0x0  }
0x12: {  	s1 =	sld [smem:$0x3F7A];
	s0 =	simm.s32 @p0 $0x1  }
0x13: {  	[smem:$0x3F95] =	sst s0;
	s0 =	simm.s32 @!p1 $0x0  }
0x14: {  	s2 =	sld [smem:$0x3F79];
	s0 =	simm.s32 @p1 $0x1  }
0x15: {  	[smem:$0x3F96] =	sst s0;
	s0 =	simm.s32 @!p2 $0x0  }
0x16: {  	s3 =	sld [smem:$0x3FDB];
	s0 =	simm.s32 @p2 $0x1  }
0x17: {  	s4 =	simm.s32 $0x1BF5;
	[smem:$0x3F98] =	sst s0  }
0x18: {  	s0 =	sld [smem:$0x3F7B];
	_ =	swait.ge [sflag:s4], $0x0  }
0x19: {  	s7 =	sld [smem:$0x3F7C]  }
0x1a: {  	s8 =	sadd.s32 $0xFFFFE003, lr  }
0x1b: {  	s9 =	sadd.s32 $0xFFFFFEF7, lr;
	s5 =	simm.s32 $0xFFFFFFFF;
	p2 =	slt.u32 s8, $0xFFFFF086  }
0x1c: {  	p1 =	slt.u32 s9, $0xF7A;
	s5 =	simm.s32 @!p2 $0x0  }
0x1d: {  	s5 =	simm.s32 @p1 $0x1;
	p0 =	seq.s32 s7, s2  }
0x1e: {  	s7 =	smul.u32 @!p0 $0xF7A, s2;
	p2 =	seq.s32 @!p0 s5, $0x0  }
0x1f: {  	s9 =	smul.u32 $0xF7A, s1;
	s8 =	simm.s32 @!p0 $0x1BF5;
	p2 =	por !p2, p0  }
0x20: {  	[sflag:s8] =	ssyncset.s32 @!p0 $0xFFFFF086;
	s6 =	sadd.s32 @!p0 s3, s7;
	s7 =	simm.s32 @!p0 $0x108  }
0x21: {  	s3 =	sadd.s32 s3, s9;
	s6 =	sadd.s32 @!p0 $0x88, s6;
	s7 =	simm.s32 @p2 $0x1082  }
0x22: {  	[simem:s7], [sflag:s8] =	dma.local @!p0 [hbm:s6], $0xF7A  }
0x23: {  	s9 =	sor.u32 $0xD0000000, s2;
	s6 =	simm.s32 $0x108;
	_ =	swait.ge @!p0 [sflag:s8], $0x0  }
0x24: {  	s3 =	sadd.s32 $0x88, s3;
	s6 =	simm.s32 @!p1 $0x1082;
	[sflag:s4] =	ssyncset.s32 $0xFFFFF086  }
0x25: {  	[simem:s6], [sflag:s4] =	dma.local [hbm:s3], $0xF7A  }
0x26: {  	[smem:$0x3F7C] =	sst s1;
	(tag) =	ssettag s2;
	_ =	strace s9  }
0x27: {  	s1 =	sld [smem:$0x3F8C]  }
0x28: {  	s2 =	sld [smem:$0x3F8D]  }
0x29: {  	s4 =	sld [smem:$0x3F8F]  }
0x2a: {  	p0 =	seq.s32 s5, $0x0;
	s5 =	sld [smem:$0x3F90]  }
0x2b: {  	s6 =	sld [smem:$0x3F91]  }
0x2c: {  	s7 =	sld [smem:$0x3F92]  }
0x2d: {  	s3 =	simm.s32 $0x108;
	s8 =	sld [smem:$0x3F93]  }
0x2e: {  	s3 =	simm.s32 @!p0 $0x1082;
	s9 =	sld [smem:$0x3F94]  }
0x2f: {  	lr =	sadd.s32 s0, s3;
	s0 =	sld [smem:$0x3F8B]  }
0x30: {  	s3 =	sld [smem:$0x3F8E]  }
0x31: {  	[smem:$0x3F97] =	sst s10  }
0x32: {  	s10 =	sld [smem:$0x3F95];
	_ =	sdelay $0x3  }
0x33: {  	p0 =	seq.s32 s10, $0x1;
	s10 =	sld [smem:$0x3F97];
	_ =	sdelay $0x3  }
0x34: {  	[smem:$0x3F97] =	sst s10  }
0x35: {  	s10 =	sld [smem:$0x3F96];
	_ =	sdelay $0x3  }
0x36: {  	p1 =	seq.s32 s10, $0x1;
	s10 =	sld [smem:$0x3F97];
	_ =	sdelay $0x3  }
0x37: {  	[smem:$0x3F97] =	sst s10  }
0x38: {  	s10 =	sld [smem:$0x3F98]  }
0x39: {  	_ = 	snop;
	(pc) =	sbr.ind lr, $3  }
0x3a: {  	_ = 	snop  }
0x3b: {  	_ = 	snop  }
0x3c: {  	p2 =	seq.s32 s10, $0x1;
	s10 =	sld [smem:$0x3F97]  }
0x3d: {  	_ =	shalt  }
0x3e: {  	_ =	shalt  }
0x3f: {  	_ =	shalt  }
0x40: {  	_ =	shalt  }
0x41: {  	_ =	shalt  }
0x42: {  	_ =	shalt  }
0x43: {  	_ =	shalt  }
0x44: {  	_ =	shalt  }
0x45: {  	_ =	shalt  }
0x46: {  	_ =	shalt  }
0x47: {  	_ =	shalt  }
0x48: {  	_ =	shalt  }
0x49: {  	_ =	shalt  }
0x4a: {  	_ =	shalt  }
0x4b: {  	_ =	shalt  }
0x4c: {  	_ =	shalt  }
0x4d: {  	_ =	shalt  }
0x4e: {  	_ =	shalt  }
0x4f: {  	_ =	shalt  }
0x50: {  	_ =	shalt  }
0x51: {  	_ =	shalt  }
0x52: {  	_ =	shalt  }
0x53: {  	_ =	shalt  }
0x54: {  	_ =	shalt  }
0x55: {  	_ =	shalt  }
0x56: {  	_ =	shalt  }
0x57: {  	_ =	shalt  }
0x58: {  	_ =	shalt  }
0x59: {  	_ =	shalt  }
0x5a: {  	_ =	shalt  }
0x5b: {  	_ =	shalt  }
0x5c: {  	_ =	shalt  }
0x5d: {  	_ =	shalt  }
0x5e: {  	_ =	shalt  }
0x5f: {  	_ =	shalt  }
0x60: {  	_ =	shalt  }
0x61: {  	_ =	shalt  }
0x62: {  	_ =	shalt  }
0x63: {  	_ =	shalt  }
0x64: {  	_ =	shalt  }
0x65: {  	_ =	shalt  }
0x66: {  	_ =	shalt  }
0x67: {  	_ =	shalt  }
0x68: {  	_ =	shalt  }
0x69: {  	_ =	shalt  }
0x6a: {  	_ =	shalt  }
0x6b: {  	_ =	shalt  }
0x6c: {  	_ =	shalt  }
0x6d: {  	_ =	shalt  }
0x6e: {  	_ =	shalt  }
0x6f: {  	_ =	shalt  }
0x70: {  	_ =	shalt  }
0x71: {  	_ =	shalt  }
0x72: {  	_ =	shalt  }
0x73: {  	_ =	shalt  }
0x74: {  	_ =	shalt  }
0x75: {  	_ =	shalt  }
0x76: {  	_ =	shalt  }
0x77: {  	_ =	shalt  }
0x78: {  	_ =	shalt  }
0x79: {  	_ =	shalt  }
0x7a: {  	_ =	shalt  }
0x7b: {  	_ =	shalt  }
0x7c: {  	_ =	shalt  }
0x7d: {  	_ =	shalt  }
0x7e: {  	_ =	shalt  }
0x7f: {  	_ =	shalt  }
0x80: {  	_ =	shalt  }
0x81: {  	_ =	shalt  }
0x82: {  	_ =	shalt  }
0x83: {  	_ =	shalt  }
0x84: {  	_ =	shalt  }
0x85: {  	_ =	shalt  }
0x86: {  	_ =	shalt  }
0x87: {  	_ =	shalt  }
.Lfunc_end0:
.L_simem_size_0:
called_computation_lowered:
.L_overlay_start_0:
0x88: {  	s2 =	sld [smem:$0x3FD9]  }
0x89: {  	s3 =	sld [smem:$0x3FFE];
	_ =	sdelay $0x1  }
0x8a: {  	s1 =	srdreg.scid  }
0x8b: {  	s0 =	sand.u32 $0x1, s1  }
0x8c: {  	s17 =	sshll.u32 s0, $0xA;
	s2 =	sadd.s32 s3, s2  }
0x8d: {  	s2 =	sadd.s32 s2, s17  }
0x8e: {  	[smem:$0x3FA3] =	sst s2  }
0x8f: {  	_ = 	snop  }
0x90: {  	s2 =	sld [smem:$0x3FC9];
	(tm) =	ssettm $0x1  }
0x91: {  	s18 =	sld [smem:$0x3FFB];
	_ =	sdelay $0x3  }
0x92: {  	_ =	strace s18  }
0x93: {  	s3 =	sld [smem:$0x3FFC];
	_ =	sdelay $0x3  }
0x94: {  	_ =	strace s3  }
0x95: {  	s3 =	sld [smem:$0x3FFD];
	_ =	sdelay $0x3  }
0x96: {  	_ =	strace s3  }
0x97: {  	_ =	strace $0x8FFFFFFF  }
0x98: {  	s19 =	sld [smem:$0x3FDB];
	_ =	sdelay $0x1  }
0x99: {  	s4 =	simm.s32 $_scs_section_size  }
0x9a: {  	s5 =	simm.s32 $_size__tile_overlayer_lowered;
	s6 =	simm.s32 $_tile_overlayer_lowered  }
0x9b: {  	s22 =	simm.s32 $0x1BFF;
	s21 =	sshll.u32 s6, $0x1;
	s3 =	sadd.s32 s4, s19  }
0x9c: {  	s7 =	simm.s32 $0x0;
	s20 =	sshll.u32 s5, $0x1;
	s5 =	sadd.s32 s21, s3  }
0x9d: {  	[timem:s7], [sflag:s22] =	dma.local [hbm:s5], s20  }
0x9e: {  	_ =	swait.ge [sflag:s22], s20  }
0x9f: {  	s4 =	ssub.s32 $0x0, s20;
	[sflag:s22] =	ssyncset.done $0x0  }
0xa0: {  	[sflag:s22] =	ssyncadd.s32 s4;
	_ =	sdelay $0x1  }
0xa1: {  	s23 =	simm.s32 $0x1B8B  }
0xa2: {  	_ =	swait.ge [sflag:s23], $0x1  }
0xa3: {  	[sflag:s23] =	ssyncset.done $0x0  }
0xa4: {  	s25 =	simm.s32 $0x1B8E;
	s24 =	sld [smem:$0x3FFE];
	[sflag:s23] =	ssyncadd.s32 $0xFFFFFFFF  }
0xa5: {  	s26 =	simm.s32 $execute0_lowered;
	[smem:$0x3FD2] =	sst s25  }
0xa6: {  	s5 =	sshll.u32 s26, $0x1;
	_ =	strace $0x80000046;
	[dreg:$0x1] =	wrdreg $0xFFFFFFFF  }
0xa7: {  	s28 =	simm.s32 $_size_execute0_lowered;
	s3 =	sadd.s32 s3, s5;
	[dreg:$0x0] =	wrdreg $0x0  }
0xa8: {  	s5 =	sshll.u32 s28, $0x1;
	[dreg:$0x2] =	wrdreg s3  }
0xa9: {  	[dreg:$0x3] =	wrdreg s5  }
0xaa: {  	[dreg:$0x4] =	wrdreg $0xC0  }
0xab: {  	_ =	task [dreg:s7], $0x5FFFF  }
0xac: {  	[dreg:$0x1] =	wrdreg $0xFFFFFFFF  }
0xad: {  	[dreg:$0x0] =	wrdreg $0x60  }
0xae: {  	[dreg:$0x2] =	wrdreg s2  }
0xaf: {  	[dreg:$0x3] =	wrdreg s24  }
0xb0: {  	[dreg:$0x4] =	wrdreg $0x140000  }
0xb1: {  	[dreg:$0x5] =	wrdreg $0x9  }
0xb2: {  	_ =	task.clear_ibuf [dreg:s7], $0x6FFFF;
	_ =	strace $0x90000046  }
0xb3: {  	s29 =	simm.s32 $0x9;
	_ =	strace $0x80000048  }
0xb4: {  	_ =	swait.ge [sflag:s29], $0x1  }
0xb5: {  	[sflag:s29] =	ssyncadd.s32 $0xFFFFFFFF  }
0xb6: {  	_ =	strace $0x90000048  }
0xb7: {  	_ =	sfence  }
0xb8: {  	s30 =	sld [smem:$0x0];
	_ =	sdelay $0x2  }
0xb9: {  	s31 =	sshll.u32 s1, $0xD;
	s1 =	sshrl.u32 s1, $0x2  }
0xba: {  	s3 =	sand.u32 $0x4000, s31;
	s1 =	sadd.s32 s1, s30  }
0xbb: {  	s0 =	sor.u32 s3, s0;
	s1 =	sshll.u32 s1, $0x11  }
0xbc: {  	s0 =	sor.u32 s1, s0  }
0xbd: {  	s0 =	sadd.s32 $0x8F2B, s0  }
0xbe: {  	[sflag:s0] =	ssyncadd.remote.s32 $0x1  }
0xbf: {  	_ =	sfence.sel $0xFFFF  }
0xc0: {  	[dreg:$0x0] =	wrdreg $0xFFFFFFFF;
	(pc) =	sbr.abs _section_cstart, $3  }
0xc1: {  	[dreg:$0x1] =	wrdreg $0xFFFFFFFF  }
0xc2: {  	_ =	task.clear_ibuf [dreg:s7], $0x2FFFF;
	_ =	strace $0x9FFFFFFF  }
0xc3: {  	(tm) =	ssettm $0x7FFFFFFF  }
tec
execute0_lowered:
.L_overlay_start_1:
0x0: {  	(tag) =	ssettag $0x1  }
0x1: {  	s1 =	rddreg [dreg:$0x0]  }
0x2: {  	s13 =	rddreg [dreg:$0x1]  }
0x3: {  	s0 =	srdreg.scid;
	s3 =	rddreg [dreg:$0x2]  }
0x4: {  	s2 =	stileid.u32;
	s4 =	simm.s32 $0x0;
	s15 =	simm.s32 $0x3B000  }
0x5: {  	s17 =	simm.s32 $0x12000;
	s18 =	simm.s32 $0x80;
	s19 =	simm.s32 $0xA000  }
0x6: {  	s20 =	simm.s32 $0xE000;
	s21 =	simm.s32 $0x1;
	s22 =	simm.s32 $0x2  }
0x7: {  	s23 =	simm.s32 $0x9D00;
	s24 =	simm.s32 $0x4E00;
	s25 =	simm.s32 $0x9D80  }
0x8: {  	s26 =	simm.s32 $0x9E00;
	s28 =	simm.s32 $0x0;
	s6 =	smul.u32 $0xA00, s2  }
0x9: {  	s10 =	sand.u32 $0x1, s0;
	s0 =	rddreg [dreg:$0x3];
	s8 =	smul.u32 $0x28000, s2  }
0xa: {  	[smem:$0x7FF] =	sst s4;
	s16 =	smul.u32 $0x1400, s2;
	s5 =	sshll.u32 s10, $0x4  }
0xb: {  	_ =	strace $0x80000047;
	s7 =	ssub.s32 $0x2, s10;
	p0 =	seq.s32 s10, $0x1  }
0xc: {  	s5 =	sor.u32 s2, s5;
	s6 =	sadd.s32 s6, s13;
	s11 =	sshrl.u32 s7, $0x1  }
0xd: {  	s8 =	sshrl.u32 s8, $0x2;
	s15 =	simm.s32 @!p0 $0x27000;
	s5 =	smul.u32 $0xA00, s5  }
0xe: {  	s14 =	ssub.s32 s7, s11;
	s6 =	sadd.s32 $0x1CC00, s6;
	s8 =	sadd.s32 s8, s3  }
0xf: {  	s15 =	sadd.s32 s15, s13;
	s10 =	sadd.s32 $0x4000, s8;
	s11 =	sadd.s32 $0x6000, s8  }
0x10: {  	s12 =	sadd.s32 $0x8000, s8;
	s9 =	sadd.s32 s5, s13;
	s5 =	sadd.s32 $0x26C00, s13  }
0x11: {  	s13 =	smax.u32 s14, $0x1;
	s14 =	sadd.s32 s15, s16;
	s15 =	simm.s32 $0x3  }
0x12: {  	s16 =	simm.s32 $0x5000;
	s7 =	sadd.s32 $0x8C00, s9;
	s9 =	sadd.s32 $0x2000, s8  }
.LBB2_1:
0x13: {  	[tilespmem:s4], [sflag:$0x3] =	stream.linear.gather [hbm4b:s6+s4], $0x4E80, $0x38;
	[tilespmem:$0x1E000] =	vst v63  }
0x14: {  	_ =	swait.ge [sflag:s15], $0x4E80  }
0x15: {  	[sflag:s15] =	ssyncset.done $0x0  }
0x16: {  	[sflag:s15] =	ssyncadd.s32 $0xFFFFB180  }
0x17: {  	[tilespmem:s16], [sflag:$0x3] =	stream.linear.gather [hbm4b:s7+s4], $0x4E80, $0x38;
	[tilespmem:$0x1E000] =	vst v63  }
0x18: {  	_ =	swait.ge [sflag:s15], $0x4E80  }
0x19: {  	[sflag:s15] =	ssyncset.done $0x0  }
0x1a: {  	[sflag:s15] =	ssyncadd.s32 $0xFFFFB180  }
0x1b: {  	[tilespmem:s17], [sflag:$0x3] =	stream.linear.gather [hbm4b:s5+s4], $0x2000, $0x38;
	[tilespmem:$0x1E000] =	vst v63  }
0x1c: {  	_ =	swait.ge [sflag:s15], $0x2000  }
0x1d: {  	[sflag:s15] =	ssyncset.done $0x0  }
0x1e: {  	[sflag:s15] =	ssyncadd.s32 $0xFFFFE000  }
0x1f: {  	[spmem:s8] =	stream.linear.scatter [tilespmem:s17], [sflag:$0x3], $0x2000, $0x38;
	[tilespmem:$0x1E000] =	vst v63  }
0x20: {  	_ =	swait.ge [sflag:s15], $0x2000  }
0x21: {  	[sflag:s15] =	ssyncset.done $0x0  }
0x22: {  	[sflag:s15] =	ssyncadd.s32 $0xFFFFE000  }
0x23: {  	[spmem:s9] =	stream.linear.scatter [tilespmem:s17], [sflag:$0x3], $0x2000, $0x38;
	[tilespmem:$0x1E000] =	vst v63  }
0x24: {  	_ =	swait.ge [sflag:s15], $0x2000  }
0x25: {  	[sflag:s15] =	ssyncset.done $0x0  }
0x26: {  	[sflag:s15] =	ssyncadd.s32 $0xFFFFE000  }
0x27: {  	[spmem:s10] =	stream.linear.scatter [tilespmem:s17], [sflag:$0x3], $0x2000, $0x38;
	[tilespmem:$0x1E000] =	vst v63  }
0x28: {  	_ =	swait.ge [sflag:s15], $0x2000  }
0x29: {  	[sflag:s15] =	ssyncset.done $0x0  }
0x2a: {  	[sflag:s15] =	ssyncadd.s32 $0xFFFFE000  }
0x2b: {  	[spmem:s11] =	stream.linear.scatter [tilespmem:s17], [sflag:$0x3], $0x2000, $0x38;
	[tilespmem:$0x1E000] =	vst v63  }
0x2c: {  	_ =	swait.ge [sflag:s15], $0x2000  }
0x2d: {  	[sflag:s15] =	ssyncset.done $0x0  }
0x2e: {  	[sflag:s15] =	ssyncadd.s32 $0xFFFFE000  }
0x2f: {  	[spmem:s12] =	stream.linear.scatter [tilespmem:s17], [sflag:$0x3], $0x2000, $0x38;
	[tilespmem:$0x1E000] =	vst v63  }
0x30: {  	_ =	swait.ge [sflag:s15], $0x2000  }
0x31: {  	[sflag:s15] =	ssyncset.done $0x0  }
0x32: {  	[sflag:s15] =	ssyncadd.s32 $0xFFFFE000  }
0x33: {  	[bflag:$0x0] =	sbarrier.arrive $0xFFFF  }
0x34: {  	[tilespmem:s19], [sflag:$0x1] =	stream.indirect.gather [hbm4b:s1+s18], $0x80, s4, s18, $0xb8;
	[tilespmem:$0x1E000] =	vst v63  }
0x35: {  	_ = 	snop  }
0x36: {  	[tilespmem:s20], [sflag:$0x2] =	stream.indirect.gather [hbm4b:s1+s18], $0x80, s18, s18, $0xb8;
	[tilespmem:$0x1E000] =	vst v63  }
0x37: {  	_ =	swait.ge [sflag:s21], $0x4000  }
0x38: {  	[sflag:s21] =	ssyncset.done $0x0  }
0x39: {  	s29 =	simm.s32 $0x5000;
	[sflag:s21] =	ssyncadd.s32 $0xFFFFC000  }
0x3a: {  	[spmem:s3] =	stream.indirect.scatter.add.f32 [tilespmem:s19], [sflag:$0x3], $0x80, s29, s18, $0xb8;
	[tilespmem:$0x1E000] =	vst v63  }
0x3b: {  	_ =	swait.ge [sflag:s15], $0x4000  }
0x3c: {  	[sflag:s15] =	ssyncset.done $0x0  }
0x3d: {  	s29 =	simm.s32 $0x100;
	[sflag:s15] =	ssyncadd.s32 $0xFFFFC000  }
0x3e: {  	[tilespmem:s19], [sflag:$0x1] =	stream.indirect.gather [hbm4b:s1+s18], $0x80, s29, s18, $0xb8;
	[tilespmem:$0x1E000] =	vst v63  }
0x3f: {  	_ =	swait.ge [sflag:s22], $0x4000  }
0x40: {  	[sflag:s22] =	ssyncset.done $0x0  }
0x41: {  	s29 =	simm.s32 $0x5080;
	[sflag:s22] =	ssyncadd.s32 $0xFFFFC000  }
0x42: {  	[spmem:s3] =	stream.indirect.scatter.add.f32 [tilespmem:s20], [sflag:$0x3], $0x80, s29, s18, $0xb8;
	[tilespmem:$0x1E000] =	vst v63  }
0x43: {  	_ =	swait.ge [sflag:s15], $0x4000  }
0x44: {  	[sflag:s15] =	ssyncset.done $0x0  }
0x45: {  	s30 =	simm.s32 $0x180;
	s29 =	simm.s32 $0x400;
	[sflag:s15] =	ssyncadd.s32 $0xFFFFC000  }
.LBB2_2:
0x46: {  	[tilespmem:s20], [sflag:$0x2] =	stream.indirect.gather [hbm4b:s1+s18], $0x80, s30, s18, $0xb8;
	[tilespmem:$0x1E000] =	vst v63  }
0x47: {  	s30 =	smov.u32 s29  }
0x48: {  	p0 =	sne.s32 s29, $0x13000;
	s29 =	sadd.s32 $0x400, s29;
	_ =	swait.ge [sflag:s21], $0x4000  }
0x49: {  	s30 =	sshra.s32 s30, $0x2;
	[sflag:s21] =	ssyncset.done $0x0  }
0x4a: {  	s31 =	sadd.s32 $0x5000, s30;
	[sflag:s21] =	ssyncadd.s32 $0xFFFFC000  }
0x4b: {  	[spmem:s3] =	stream.indirect.scatter.add.f32 [tilespmem:s19], [sflag:$0x3], $0x80, s31, s18, $0xb8;
	[tilespmem:$0x1E000] =	vst v63  }
0x4c: {  	_ =	swait.ge [sflag:s15], $0x4000  }
0x4d: {  	[sflag:s15] =	ssyncset.done $0x0  }
0x4e: {  	s31 =	sadd.s32 $0x100, s30;
	[sflag:s15] =	ssyncadd.s32 $0xFFFFC000  }
0x4f: {  	[tilespmem:s19], [sflag:$0x1] =	stream.indirect.gather [hbm4b:s1+s18], $0x80, s31, s18, $0xb8;
	[tilespmem:$0x1E000] =	vst v63  }
0x50: {  	_ =	swait.ge [sflag:s22], $0x4000  }
0x51: {  	[sflag:s22] =	ssyncset.done $0x0  }
.Ltmp0:
0x52: {  	s31 =	sadd.s32 $0x5080, s30;
	[sflag:s22] =	ssyncadd.s32 $0xFFFFC000;
	(pc) =	sbr.rel @p0 .LBB2_2-.Ltmp0, $4  }
0x53: {  	[spmem:s3] =	stream.indirect.scatter.add.f32 [tilespmem:s20], [sflag:$0x3], $0x80, s31, s18, $0xb8;
	[tilespmem:$0x1E000] =	vst v63  }
0x54: {  	_ =	swait.ge [sflag:s15], $0x4000  }
0x55: {  	[sflag:s15] =	ssyncset.done $0x0  }
0x56: {  	s30 =	sadd.s32 $0x180, s30;
	[sflag:s15] =	ssyncadd.s32 $0xFFFFC000  }
0x57: {  	[tilespmem:s20], [sflag:$0x2] =	stream.indirect.gather [hbm4b:s1+s18], $0x80, s30, s18, $0xb8;
	[tilespmem:$0x1E000] =	vst v63  }
0x58: {  	_ =	swait.ge [sflag:s21], $0x4000  }
0x59: {  	[sflag:s21] =	ssyncset.done $0x0  }
0x5a: {  	[sflag:s21] =	ssyncadd.s32 $0xFFFFC000  }
0x5b: {  	[spmem:s3] =	stream.indirect.scatter.add.f32 [tilespmem:s19], [sflag:$0x3], $0x80, s23, s18, $0xb8;
	[tilespmem:$0x1E000] =	vst v63  }
0x5c: {  	_ =	swait.ge [sflag:s15], $0x4000  }
0x5d: {  	[sflag:s15] =	ssyncset.done $0x0  }
0x5e: {  	[sflag:s15] =	ssyncadd.s32 $0xFFFFC000  }
0x5f: {  	[tilespmem:s19], [sflag:$0x1] =	stream.indirect.gather [hbm4b:s1+s18], $0x80, s24, s18, $0xb8;
	[tilespmem:$0x1E000] =	vst v63  }
0x60: {  	_ =	swait.ge [sflag:s22], $0x4000  }
0x61: {  	[sflag:s22] =	ssyncset.done $0x0  }
0x62: {  	[sflag:s22] =	ssyncadd.s32 $0xFFFFC000  }
0x63: {  	[spmem:s3] =	stream.indirect.scatter.add.f32 [tilespmem:s20], [sflag:$0x3], $0x80, s25, s18, $0xb8;
	[tilespmem:$0x1E000] =	vst v63  }
0x64: {  	_ =	swait.ge [sflag:s15], $0x4000  }
0x65: {  	[sflag:s15] =	ssyncset.done $0x0  }
0x66: {  	[sflag:s15] =	ssyncadd.s32 $0xFFFFC000  }
0x67: {  	_ =	swait.ge [sflag:s21], $0x4000  }
0x68: {  	[sflag:s21] =	ssyncset.done $0x0  }
0x69: {  	[sflag:s21] =	ssyncadd.s32 $0xFFFFC000  }
0x6a: {  	[spmem:s3] =	stream.indirect.scatter.add.f32 [tilespmem:s19], [sflag:$0x3], $0x80, s26, s18, $0xb8;
	[tilespmem:$0x1E000] =	vst v63  }
0x6b: {  	_ =	swait.ge [sflag:s15], $0x4000  }
0x6c: {  	s29 =	sshll.u32 s2, $0x6;
	s28 =	sadd.s32 $0x1, s28;
	[sflag:s15] =	ssyncset.done $0x0  }
0x6d: {  	s31 =	sshrl.u32 s8, $0x3;
	p0 =	sne.s32 s28, s13;
	[sflag:s15] =	ssyncadd.s32 $0xFFFFC000  }
.Ltmp1:
0x6e: {  	s29 =	sor.u32 $0x1C03, s29;
	[bflag:$0x0] =	sbarrier.arrive $0xFFFF;
	(pc) =	sbr.rel @p0 .LBB2_1-.Ltmp1, $4  }
0x6f: {  	[hbm:s14], [sflag:s29] =	dma.local [spmem:s31], $0x1400  }
0x70: {  	_ =	swait.ge [sflag:s15], $0x1400  }
0x71: {  	[sflag:s15] =	ssyncset.done $0x0  }
0x72: {  	[sflag:s15] =	ssyncadd.s32 $0xFFFFEC00  }
0x73: {  	_ =	sfence.sel $0x180000  }
0x74: {  	[bflag:$0x0] =	sbarrier.arrive $0xFFFF  }
0x75: {  	p0 =	sne.s32 s2, $0x0;
	_ =	strace $0x90000047  }
0x76: {  	s0 =	sadd.s32 @!p0 $0x100000, s0;
	[bflag:$0x2] =	sbarrier.arrive $0xFFFF  }
0x77: {  	[sflag:s0] =	ssyncadd.tile.s32 @!p0 $0x1;
	_ =	shalt  }
.Lfunc_end2:
_tile_overlayer_lowered:
.L_overlay_start_2:
0x78: {  	(tag) =	ssettag $0x2  }
0x79: {  	s0 =	rddreg [dreg:$0x0];
	s2 =	stileid.u32  }
0x7a: {  	s1 =	rddreg [dreg:$0x1];
	p0 =	sne.s32 s2, $0x0  }
0x7b: {  	s3 =	rddreg [dreg:$0x2];
	[bflag:$0x3] =	sbarrier.arrive $0xFFFF;
	s2 =	simm.s32 @!p0 $0x1C03  }
0x7c: {  	[timem:s3], [sflag:s2] =	dma.local @!p0 [hbm:s0], s1  }
0x7d: {  	s0 =	simm.s32 @!p0 $0x3  }
0x7e: {  	_ =	swait.ge @!p0 [sflag:s0], s1  }
0x7f: {  	s1 =	ssub.s32 @!p0 $0x0, s1;
	[sflag:s0] =	ssyncset.done @!p0 $0x0  }
0x80: {  	[sflag:s0] =	ssyncadd.s32 @!p0 s1  }
0x81: {  	[bflag:$0x3] =	sbarrier.arrive $0xFFFF  }
0x82: {  	_ =	shalt  }

// kernel: kernel.15.cloned.1.call-start
scs
__scs_entry_jumppad:
0x0: {  	(pc) =	sbr.rel $0x88, $3  }
0x1: {  	(tag) =	ssettag $0x0;
	lr =	simm.s32 $0x1  }
0x2: {  	[smem:$0x3F7C] =	sst lr;
	_ =	strace $0xD0000000  }
0x3: {  	_ = 	snop  }
0x4: {  	_ = 	snop  }
0x5: {  	_ = 	snop  }
0x6: {  	_ = 	snop  }
0x7: {  	_ = 	snop  }
__scs_overlays_trampoline_lowered:
0x8: {  	[smem:$0x3F8B] =	sst s0  }
0x9: {  	[smem:$0x3F8C] =	sst s1  }
0xa: {  	[smem:$0x3F8D] =	sst s2  }
0xb: {  	[smem:$0x3F8E] =	sst s3  }
0xc: {  	[smem:$0x3F8F] =	sst s4  }
0xd: {  	[smem:$0x3F90] =	sst s5  }
0xe: {  	[smem:$0x3F91] =	sst s6  }
0xf: {  	[smem:$0x3F92] =	sst s7  }
0x10: {  	[smem:$0x3F93] =	sst s8  }
0x11: {  	[smem:$0x3F94] =	sst s9;
	s0 =	simm.s32 @!p0 $0x0  }
0x12: {  	s1 =	sld [smem:$0x3F7A];
	s0 =	simm.s32 @p0 $0x1  }
0x13: {  	[smem:$0x3F95] =	sst s0;
	s0 =	simm.s32 @!p1 $0x0  }
0x14: {  	s2 =	sld [smem:$0x3F79];
	s0 =	simm.s32 @p1 $0x1  }
0x15: {  	[smem:$0x3F96] =	sst s0;
	s0 =	simm.s32 @!p2 $0x0  }
0x16: {  	s3 =	sld [smem:$0x3FDB];
	s0 =	simm.s32 @p2 $0x1  }
0x17: {  	s4 =	simm.s32 $0x1BF5;
	[smem:$0x3F98] =	sst s0  }
0x18: {  	s0 =	sld [smem:$0x3F7B];
	_ =	swait.ge [sflag:s4], $0x0  }
0x19: {  	s7 =	sld [smem:$0x3F7C]  }
0x1a: {  	s8 =	sadd.s32 $0xFFFFE003, lr  }
0x1b: {  	s9 =	sadd.s32 $0xFFFFFEF7, lr;
	s5 =	simm.s32 $0xFFFFFFFF;
	p2 =	slt.u32 s8, $0xFFFFF086  }
0x1c: {  	p1 =	slt.u32 s9, $0xF7A;
	s5 =	simm.s32 @!p2 $0x0  }
0x1d: {  	s5 =	simm.s32 @p1 $0x1;
	p0 =	seq.s32 s7, s2  }
0x1e: {  	s7 =	smul.u32 @!p0 $0xF7A, s2;
	p2 =	seq.s32 @!p0 s5, $0x0  }
0x1f: {  	s9 =	smul.u32 $0xF7A, s1;
	s8 =	simm.s32 @!p0 $0x1BF5;
	p2 =	por !p2, p0  }
0x20: {  	[sflag:s8] =	ssyncset.s32 @!p0 $0xFFFFF086;
	s6 =	sadd.s32 @!p0 s3, s7;
	s7 =	simm.s32 @!p0 $0x108  }
0x21: {  	s3 =	sadd.s32 s3, s9;
	s6 =	sadd.s32 @!p0 $0x88, s6;
	s7 =	simm.s32 @p2 $0x1082  }
0x22: {  	[simem:s7], [sflag:s8] =	dma.local @!p0 [hbm:s6], $0xF7A  }
0x23: {  	s9 =	sor.u32 $0xD0000000, s2;
	s6 =	simm.s32 $0x108;
	_ =	swait.ge @!p0 [sflag:s8], $0x0  }
0x24: {  	s3 =	sadd.s32 $0x88, s3;
	s6 =	simm.s32 @!p1 $0x1082;
	[sflag:s4] =	ssyncset.s32 $0xFFFFF086  }
0x25: {  	[simem:s6], [sflag:s4] =	dma.local [hbm:s3], $0xF7A  }
0x26: {  	[smem:$0x3F7C] =	sst s1;
	(tag) =	ssettag s2;
	_ =	strace s9  }
0x27: {  	s1 =	sld [smem:$0x3F8C]  }
0x28: {  	s2 =	sld [smem:$0x3F8D]  }
0x29: {  	s4 =	sld [smem:$0x3F8F]  }
0x2a: {  	p0 =	seq.s32 s5, $0x0;
	s5 =	sld [smem:$0x3F90]  }
0x2b: {  	s6 =	sld [smem:$0x3F91]  }
0x2c: {  	s7 =	sld [smem:$0x3F92]  }
0x2d: {  	s3 =	simm.s32 $0x108;
	s8 =	sld [smem:$0x3F93]  }
0x2e: {  	s3 =	simm.s32 @!p0 $0x1082;
	s9 =	sld [smem:$0x3F94]  }
0x2f: {  	lr =	sadd.s32 s0, s3;
	s0 =	sld [smem:$0x3F8B]  }
0x30: {  	s3 =	sld [smem:$0x3F8E]  }
0x31: {  	[smem:$0x3F97] =	sst s10  }
0x32: {  	s10 =	sld [smem:$0x3F95];
	_ =	sdelay $0x3  }
0x33: {  	p0 =	seq.s32 s10, $0x1;
	s10 =	sld [smem:$0x3F97];
	_ =	sdelay $0x3  }
0x34: {  	[smem:$0x3F97] =	sst s10  }
0x35: {  	s10 =	sld [smem:$0x3F96];
	_ =	sdelay $0x3  }
0x36: {  	p1 =	seq.s32 s10, $0x1;
	s10 =	sld [smem:$0x3F97];
	_ =	sdelay $0x3  }
0x37: {  	[smem:$0x3F97] =	sst s10  }
0x38: {  	s10 =	sld [smem:$0x3F98]  }
0x39: {  	_ = 	snop;
	(pc) =	sbr.ind lr, $3  }
0x3a: {  	_ = 	snop  }
0x3b: {  	_ = 	snop  }
0x3c: {  	p2 =	seq.s32 s10, $0x1;
	s10 =	sld [smem:$0x3F97]  }
0x3d: {  	_ =	shalt  }
0x3e: {  	_ =	shalt  }
0x3f: {  	_ =	shalt  }
0x40: {  	_ =	shalt  }
0x41: {  	_ =	shalt  }
0x42: {  	_ =	shalt  }
0x43: {  	_ =	shalt  }
0x44: {  	_ =	shalt  }
0x45: {  	_ =	shalt  }
0x46: {  	_ =	shalt  }
0x47: {  	_ =	shalt  }
0x48: {  	_ =	shalt  }
0x49: {  	_ =	shalt  }
0x4a: {  	_ =	shalt  }
0x4b: {  	_ =	shalt  }
0x4c: {  	_ =	shalt  }
0x4d: {  	_ =	shalt  }
0x4e: {  	_ =	shalt  }
0x4f: {  	_ =	shalt  }
0x50: {  	_ =	shalt  }
0x51: {  	_ =	shalt  }
0x52: {  	_ =	shalt  }
0x53: {  	_ =	shalt  }
0x54: {  	_ =	shalt  }
0x55: {  	_ =	shalt  }
0x56: {  	_ =	shalt  }
0x57: {  	_ =	shalt  }
0x58: {  	_ =	shalt  }
0x59: {  	_ =	shalt  }
0x5a: {  	_ =	shalt  }
0x5b: {  	_ =	shalt  }
0x5c: {  	_ =	shalt  }
0x5d: {  	_ =	shalt  }
0x5e: {  	_ =	shalt  }
0x5f: {  	_ =	shalt  }
0x60: {  	_ =	shalt  }
0x61: {  	_ =	shalt  }
0x62: {  	_ =	shalt  }
0x63: {  	_ =	shalt  }
0x64: {  	_ =	shalt  }
0x65: {  	_ =	shalt  }
0x66: {  	_ =	shalt  }
0x67: {  	_ =	shalt  }
0x68: {  	_ =	shalt  }
0x69: {  	_ =	shalt  }
0x6a: {  	_ =	shalt  }
0x6b: {  	_ =	shalt  }
0x6c: {  	_ =	shalt  }
0x6d: {  	_ =	shalt  }
0x6e: {  	_ =	shalt  }
0x6f: {  	_ =	shalt  }
0x70: {  	_ =	shalt  }
0x71: {  	_ =	shalt  }
0x72: {  	_ =	shalt  }
0x73: {  	_ =	shalt  }
0x74: {  	_ =	shalt  }
0x75: {  	_ =	shalt  }
0x76: {  	_ =	shalt  }
0x77: {  	_ =	shalt  }
0x78: {  	_ =	shalt  }
0x79: {  	_ =	shalt  }
0x7a: {  	_ =	shalt  }
0x7b: {  	_ =	shalt  }
0x7c: {  	_ =	shalt  }
0x7d: {  	_ =	shalt  }
0x7e: {  	_ =	shalt  }
0x7f: {  	_ =	shalt  }
0x80: {  	_ =	shalt  }
0x81: {  	_ =	shalt  }
0x82: {  	_ =	shalt  }
0x83: {  	_ =	shalt  }
0x84: {  	_ =	shalt  }
0x85: {  	_ =	shalt  }
0x86: {  	_ =	shalt  }
0x87: {  	_ =	shalt  }
.Lfunc_end0:
.L_simem_size_0:
called_computation.1_lowered:
.L_overlay_start_0:
0x88: {  	s2 =	sld [smem:$0x3FD9]  }
0x89: {  	s3 =	sld [smem:$0x3FFE];
	_ =	sdelay $0x1  }
0x8a: {  	s1 =	srdreg.scid  }
0x8b: {  	s0 =	sand.u32 $0x1, s1  }
0x8c: {  	s16 =	sshll.u32 s0, $0xA;
	s2 =	sadd.s32 s3, s2  }
0x8d: {  	s2 =	sadd.s32 s2, s16  }
0x8e: {  	[smem:$0x3FA3] =	sst s2  }
0x8f: {  	_ = 	snop  }
0x90: {  	(tm) =	ssettm $0x1  }
0x91: {  	s17 =	sld [smem:$0x3FFB];
	_ =	sdelay $0x3  }
0x92: {  	_ =	strace s17  }
0x93: {  	s2 =	sld [smem:$0x3FFC];
	_ =	sdelay $0x3  }
0x94: {  	_ =	strace s2  }
0x95: {  	s2 =	sld [smem:$0x3FFD];
	_ =	sdelay $0x3  }
0x96: {  	_ =	strace s2  }
0x97: {  	_ =	strace $0x8FFFFFFF  }
0x98: {  	s18 =	sld [smem:$0x3FDB];
	_ =	sdelay $0x1  }
0x99: {  	s19 =	simm.s32 $_scs_section_size  }
0x9a: {  	s4 =	simm.s32 $_size__tile_overlayer_lowered;
	s5 =	simm.s32 $_tile_overlayer_lowered  }
0x9b: {  	s22 =	simm.s32 $0x1BFF;
	s21 =	sshll.u32 s5, $0x1;
	s2 =	sadd.s32 s19, s18  }
0x9c: {  	s6 =	simm.s32 $0x0;
	s20 =	sshll.u32 s4, $0x1;
	s4 =	sadd.s32 s21, s2  }
0x9d: {  	[timem:s6], [sflag:s22] =	dma.local [hbm:s4], s20  }
0x9e: {  	_ =	swait.ge [sflag:s22], s20  }
0x9f: {  	s3 =	ssub.s32 $0x0, s20;
	[sflag:s22] =	ssyncset.done $0x0  }
0xa0: {  	[sflag:s22] =	ssyncadd.s32 s3;
	_ =	sdelay $0x1  }
0xa1: {  	s23 =	simm.s32 $0x1B8B  }
0xa2: {  	_ =	swait.ge [sflag:s23], $0x1  }
0xa3: {  	[sflag:s23] =	ssyncset.done $0x0  }
0xa4: {  	s25 =	simm.s32 $0x1B8E;
	s24 =	sld [smem:$0x3FFE];
	[sflag:s23] =	ssyncadd.s32 $0xFFFFFFFF  }
0xa5: {  	s26 =	simm.s32 $execute0_lowered;
	[smem:$0x3FD2] =	sst s25  }
0xa6: {  	s4 =	sshll.u32 s26, $0x1;
	_ =	strace $0x80000049;
	[dreg:$0x1] =	wrdreg $0xFFFFFFFF  }
0xa7: {  	s28 =	simm.s32 $_size_execute0_lowered;
	s2 =	sadd.s32 s2, s4;
	[dreg:$0x0] =	wrdreg $0x0  }
0xa8: {  	s4 =	sshll.u32 s28, $0x1;
	[dreg:$0x2] =	wrdreg s2  }
0xa9: {  	[dreg:$0x3] =	wrdreg s4  }
0xaa: {  	[dreg:$0x4] =	wrdreg $0xC0  }
0xab: {  	_ =	task [dreg:s6], $0x5FFFF  }
0xac: {  	[dreg:$0x1] =	wrdreg $0xFFFFFFFF  }
0xad: {  	[dreg:$0x0] =	wrdreg $0x60  }
0xae: {  	[dreg:$0x2] =	wrdreg s24  }
0xaf: {  	[dreg:$0x3] =	wrdreg $0x140000  }
0xb0: {  	[dreg:$0x4] =	wrdreg $0x9  }
0xb1: {  	_ =	task.clear_ibuf [dreg:s6], $0x5FFFF;
	_ =	strace $0x90000049  }
0xb2: {  	s29 =	simm.s32 $0x9;
	_ =	strace $0x8000004B  }
0xb3: {  	_ =	swait.ge [sflag:s29], $0x1  }
0xb4: {  	[sflag:s29] =	ssyncadd.s32 $0xFFFFFFFF  }
0xb5: {  	_ =	strace $0x9000004B  }
0xb6: {  	_ =	sfence  }
0xb7: {  	s30 =	sld [smem:$0x0];
	_ =	sdelay $0x2  }
0xb8: {  	s31 =	sshll.u32 s1, $0xD;
	s1 =	sshrl.u32 s1, $0x2  }
0xb9: {  	s3 =	sand.u32 $0x4000, s31;
	s1 =	sadd.s32 s1, s30  }
0xba: {  	s0 =	sor.u32 s3, s0;
	s1 =	sshll.u32 s1, $0x11  }
0xbb: {  	s0 =	sor.u32 s1, s0  }
0xbc: {  	s0 =	sadd.s32 $0x8F2B, s0  }
0xbd: {  	[sflag:s0] =	ssyncadd.remote.s32 $0x1  }
0xbe: {  	_ =	sfence.sel $0xFFFF  }
0xbf: {  	[dreg:$0x0] =	wrdreg $0xFFFFFFFF;
	(pc) =	sbr.abs _section_cstart, $3  }
0xc0: {  	[dreg:$0x1] =	wrdreg $0xFFFFFFFF  }
0xc1: {  	_ =	task.clear_ibuf [dreg:s6], $0x2FFFF;
	_ =	strace $0x9FFFFFFF  }
0xc2: {  	(tm) =	ssettm $0x7FFFFFFF  }
0xc3: {  	_ =	shalt  }
tec
execute0_lowered:
.L_overlay_start_1:
0x0: {  	(tag) =	ssettag $0x1  }
0x1: {  	s13 =	rddreg [dreg:$0x0]  }
0x2: {  	s1 =	rddreg [dreg:$0x1]  }
0x3: {  	s2 =	srdreg.scid;
	s0 =	rddreg [dreg:$0x2]  }
0x4: {  	s3 =	simm.s32 $0x0;
	s15 =	simm.s32 $0x62200;
	s17 =	simm.s32 $0x12000  }
0x5: {  	s18 =	simm.s32 $0x80;
	s19 =	simm.s32 $0xA000;
	s20 =	simm.s32 $0xE000  }
0x6: {  	s21 =	simm.s32 $0x1;
	s22 =	simm.s32 $0x2;
	s23 =	simm.s32 $0x9D00  }
0x7: {  	s24 =	simm.s32 $0x4E00;
	s25 =	simm.s32 $0x9D80;
	s26 =	simm.s32 $0x9E00  }
0x8: {  	s28 =	simm.s32 $0x0;
	s10 =	sand.u32 $0x1, s2;
	s2 =	stileid.u32  }
0x9: {  	[smem:$0x7FF] =	sst s3;
	s4 =	sshll.u32 s10, $0x4;
	s5 =	smul.u32 $0xA00, s2  }
0xa: {  	_ =	strace $0x8000004A;
	s7 =	ssub.s32 $0x2, s10;
	s8 =	smul.u32 $0x28000, s2  }
0xb: {  	p0 =	seq.s32 s10, $0x1;
	s16 =	smul.u32 $0x1400, s2;
	s4 =	sor.u32 s2, s4  }
0xc: {  	s31 =	sshrl.u32 s7, $0x1;
	s15 =	simm.s32 @!p0 $0x4E200;
	s6 =	smul.u32 $0xA00, s4  }
0xd: {  	s4 =	sadd.s32 $0x27000, s13;
	s9 =	sadd.s32 s5, s13;
	s5 =	sadd.s32 $0x26C00, s13  }
0xe: {  	s14 =	ssub.s32 s7, s31;
	s8 =	sshrl.u32 s8, $0x2;
	s15 =	sadd.s32 s15, s13  }
0xf: {  	s8 =	sadd.s32 s8, s1;
	s11 =	sadd.s32 s6, s13;
	s6 =	sadd.s32 $0x1CC00, s9  }
0x10: {  	s9 =	sadd.s32 $0x2000, s8;
	s10 =	sadd.s32 $0x4000, s8;
	s12 =	sadd.s32 $0x8000, s8  }
0x11: {  	s13 =	smax.u32 s14, $0x1;
	s14 =	sadd.s32 s15, s16;
	s15 =	simm.s32 $0x3  }
0x12: {  	s16 =	simm.s32 $0x5000;
	s7 =	sadd.s32 $0x8C00, s11;
	s11 =	sadd.s32 $0x6000, s8  }
.LBB2_1:
0x13: {  	[tilespmem:s3], [sflag:$0x3] =	stream.linear.gather [hbm4b:s6+s3], $0x4E80, $0x38;
	[tilespmem:$0x1E000] =	vst v63  }
0x14: {  	_ =	swait.ge [sflag:s15], $0x4E80  }
0x15: {  	[sflag:s15] =	ssyncset.done $0x0  }
0x16: {  	[sflag:s15] =	ssyncadd.s32 $0xFFFFB180  }
0x17: {  	[tilespmem:s16], [sflag:$0x3] =	stream.linear.gather [hbm4b:s7+s3], $0x4E80, $0x38;
	[tilespmem:$0x1E000] =	vst v63  }
0x18: {  	_ =	swait.ge [sflag:s15], $0x4E80  }
0x19: {  	[sflag:s15] =	ssyncset.done $0x0  }
0x1a: {  	[sflag:s15] =	ssyncadd.s32 $0xFFFFB180  }
0x1b: {  	[tilespmem:s17], [sflag:$0x3] =	stream.linear.gather [hbm4b:s5+s3], $0x2000, $0x38;
	[tilespmem:$0x1E000] =	vst v63  }
0x1c: {  	_ =	swait.ge [sflag:s15], $0x2000  }
0x1d: {  	[sflag:s15] =	ssyncset.done $0x0  }
0x1e: {  	[sflag:s15] =	ssyncadd.s32 $0xFFFFE000  }
0x1f: {  	[spmem:s8] =	stream.linear.scatter [tilespmem:s17], [sflag:$0x3], $0x2000, $0x38;
	[tilespmem:$0x1E000] =	vst v63  }
0x20: {  	_ =	swait.ge [sflag:s15], $0x2000  }
0x21: {  	[sflag:s15] =	ssyncset.done $0x0  }
0x22: {  	[sflag:s15] =	ssyncadd.s32 $0xFFFFE000  }
0x23: {  	[spmem:s9] =	stream.linear.scatter [tilespmem:s17], [sflag:$0x3], $0x2000, $0x38;
	[tilespmem:$0x1E000] =	vst v63  }
0x24: {  	_ =	swait.ge [sflag:s15], $0x2000  }
0x25: {  	[sflag:s15] =	ssyncset.done $0x0  }
0x26: {  	[sflag:s15] =	ssyncadd.s32 $0xFFFFE000  }
0x27: {  	[spmem:s10] =	stream.linear.scatter [tilespmem:s17], [sflag:$0x3], $0x2000, $0x38;
	[tilespmem:$0x1E000] =	vst v63  }
0x28: {  	_ =	swait.ge [sflag:s15], $0x2000  }
0x29: {  	[sflag:s15] =	ssyncset.done $0x0  }
0x2a: {  	[sflag:s15] =	ssyncadd.s32 $0xFFFFE000  }
0x2b: {  	[spmem:s11] =	stream.linear.scatter [tilespmem:s17], [sflag:$0x3], $0x2000, $0x38;
	[tilespmem:$0x1E000] =	vst v63  }
0x2c: {  	_ =	swait.ge [sflag:s15], $0x2000  }
0x2d: {  	[sflag:s15] =	ssyncset.done $0x0  }
0x2e: {  	[sflag:s15] =	ssyncadd.s32 $0xFFFFE000  }
0x2f: {  	[spmem:s12] =	stream.linear.scatter [tilespmem:s17], [sflag:$0x3], $0x2000, $0x38;
	[tilespmem:$0x1E000] =	vst v63  }
0x30: {  	_ =	swait.ge [sflag:s15], $0x2000  }
0x31: {  	[sflag:s15] =	ssyncset.done $0x0  }
0x32: {  	[sflag:s15] =	ssyncadd.s32 $0xFFFFE000  }
0x33: {  	[bflag:$0x0] =	sbarrier.arrive $0xFFFF  }
0x34: {  	[tilespmem:s19], [sflag:$0x1] =	stream.indirect.gather [hbm4b:s4+s18], $0x80, s3, s18, $0xb8;
	[tilespmem:$0x1E000] =	vst v63  }
0x35: {  	_ = 	snop  }
0x36: {  	[tilespmem:s20], [sflag:$0x2] =	stream.indirect.gather [hbm4b:s4+s18], $0x80, s18, s18, $0xb8;
	[tilespmem:$0x1E000] =	vst v63  }
0x37: {  	_ =	swait.ge [sflag:s21], $0x4000  }
0x38: {  	[sflag:s21] =	ssyncset.done $0x0  }
0x39: {  	s29 =	simm.s32 $0x5000;
	[sflag:s21] =	ssyncadd.s32 $0xFFFFC000  }
0x3a: {  	[spmem:s1] =	stream.indirect.scatter.add.f32 [tilespmem:s19], [sflag:$0x3], $0x80, s29, s18, $0xb8;
	[tilespmem:$0x1E000] =	vst v63  }
0x3b: {  	_ =	swait.ge [sflag:s15], $0x4000  }
0x3c: {  	[sflag:s15] =	ssyncset.done $0x0  }
0x3d: {  	s29 =	simm.s32 $0x100;
	[sflag:s15] =	ssyncadd.s32 $0xFFFFC000  }
0x3e: {  	[tilespmem:s19], [sflag:$0x1] =	stream.indirect.gather [hbm4b:s4+s18], $0x80, s29, s18, $0xb8;
	[tilespmem:$0x1E000] =	vst v63  }
0x3f: {  	_ =	swait.ge [sflag:s22], $0x4000  }
0x40: {  	[sflag:s22] =	ssyncset.done $0x0  }
0x41: {  	s29 =	simm.s32 $0x5080;
	[sflag:s22] =	ssyncadd.s32 $0xFFFFC000  }
0x42: {  	[spmem:s1] =	stream.indirect.scatter.add.f32 [tilespmem:s20], [sflag:$0x3], $0x80, s29, s18, $0xb8;
	[tilespmem:$0x1E000] =	vst v63  }
0x43: {  	_ =	swait.ge [sflag:s15], $0x4000  }
0x44: {  	[sflag:s15] =	ssyncset.done $0x0  }
0x45: {  	s30 =	simm.s32 $0x180;
	s29 =	simm.s32 $0x400;
	[sflag:s15] =	ssyncadd.s32 $0xFFFFC000  }
.LBB2_2:
0x46: {  	[tilespmem:s20], [sflag:$0x2] =	stream.indirect.gather [hbm4b:s4+s18], $0x80, s30, s18, $0xb8;
	[tilespmem:$0x1E000] =	vst v63  }
0x47: {  	s30 =	smov.u32 s29  }
0x48: {  	p0 =	sne.s32 s29, $0x13000;
	s29 =	sadd.s32 $0x400, s29;
	_ =	swait.ge [sflag:s21], $0x4000  }
0x49: {  	s30 =	sshra.s32 s30, $0x2;
	[sflag:s21] =	ssyncset.done $0x0  }
0x4a: {  	s31 =	sadd.s32 $0x5000, s30;
	[sflag:s21] =	ssyncadd.s32 $0xFFFFC000  }
0x4b: {  	[spmem:s1] =	stream.indirect.scatter.add.f32 [tilespmem:s19], [sflag:$0x3], $0x80, s31, s18, $0xb8;
	[tilespmem:$0x1E000] =	vst v63  }
0x4c: {  	_ =	swait.ge [sflag:s15], $0x4000  }
0x4d: {  	[sflag:s15] =	ssyncset.done $0x0  }
0x4e: {  	s31 =	sadd.s32 $0x100, s30;
	[sflag:s15] =	ssyncadd.s32 $0xFFFFC000  }
0x4f: {  	[tilespmem:s19], [sflag:$0x1] =	stream.indirect.gather [hbm4b:s4+s18], $0x80, s31, s18, $0xb8;
	[tilespmem:$0x1E000] =	vst v63  }
0x50: {  	_ =	swait.ge [sflag:s22], $0x4000  }
0x51: {  	[sflag:s22] =	ssyncset.done $0x0  }
.Ltmp0:
0x52: {  	s31 =	sadd.s32 $0x5080, s30;
	[sflag:s22] =	ssyncadd.s32 $0xFFFFC000;
	(pc) =	sbr.rel @p0 .LBB2_2-.Ltmp0, $4  }
0x53: {  	[spmem:s1] =	stream.indirect.scatter.add.f32 [tilespmem:s20], [sflag:$0x3], $0x80, s31, s18, $0xb8;
	[tilespmem:$0x1E000] =	vst v63  }
0x54: {  	_ =	swait.ge [sflag:s15], $0x4000  }
0x55: {  	[sflag:s15] =	ssyncset.done $0x0  }
0x56: {  	s30 =	sadd.s32 $0x180, s30;
	[sflag:s15] =	ssyncadd.s32 $0xFFFFC000  }
0x57: {  	[tilespmem:s20], [sflag:$0x2] =	stream.indirect.gather [hbm4b:s4+s18], $0x80, s30, s18, $0xb8;
	[tilespmem:$0x1E000] =	vst v63  }
0x58: {  	_ =	swait.ge [sflag:s21], $0x4000  }
0x59: {  	[sflag:s21] =	ssyncset.done $0x0  }
0x5a: {  	[sflag:s21] =	ssyncadd.s32 $0xFFFFC000  }
0x5b: {  	[spmem:s1] =	stream.indirect.scatter.add.f32 [tilespmem:s19], [sflag:$0x3], $0x80, s23, s18, $0xb8;
	[tilespmem:$0x1E000] =	vst v63  }
0x5c: {  	_ =	swait.ge [sflag:s15], $0x4000  }
0x5d: {  	[sflag:s15] =	ssyncset.done $0x0  }
0x5e: {  	[sflag:s15] =	ssyncadd.s32 $0xFFFFC000  }
0x5f: {  	[tilespmem:s19], [sflag:$0x1] =	stream.indirect.gather [hbm4b:s4+s18], $0x80, s24, s18, $0xb8;
	[tilespmem:$0x1E000] =	vst v63  }
0x60: {  	_ =	swait.ge [sflag:s22], $0x4000  }
0x61: {  	[sflag:s22] =	ssyncset.done $0x0  }
0x62: {  	[sflag:s22] =	ssyncadd.s32 $0xFFFFC000  }
0x63: {  	[spmem:s1] =	stream.indirect.scatter.add.f32 [tilespmem:s20], [sflag:$0x3], $0x80, s25, s18, $0xb8;
	[tilespmem:$0x1E000] =	vst v63  }
0x64: {  	_ =	swait.ge [sflag:s15], $0x4000  }
0x65: {  	[sflag:s15] =	ssyncset.done $0x0  }
0x66: {  	[sflag:s15] =	ssyncadd.s32 $0xFFFFC000  }
0x67: {  	_ =	swait.ge [sflag:s21], $0x4000  }
0x68: {  	[sflag:s21] =	ssyncset.done $0x0  }
0x69: {  	[sflag:s21] =	ssyncadd.s32 $0xFFFFC000  }
0x6a: {  	[spmem:s1] =	stream.indirect.scatter.add.f32 [tilespmem:s19], [sflag:$0x3], $0x80, s26, s18, $0xb8;
	[tilespmem:$0x1E000] =	vst v63  }
0x6b: {  	_ =	swait.ge [sflag:s15], $0x4000  }
0x6c: {  	s29 =	sshll.u32 s2, $0x6;
	s28 =	sadd.s32 $0x1, s28;
	[sflag:s15] =	ssyncset.done $0x0  }
0x6d: {  	s31 =	sshrl.u32 s8, $0x3;
	p0 =	sne.s32 s28, s13;
	[sflag:s15] =	ssyncadd.s32 $0xFFFFC000  }
.Ltmp1:
0x6e: {  	s29 =	sor.u32 $0x1C03, s29;
	[bflag:$0x0] =	sbarrier.arrive $0xFFFF;
	(pc) =	sbr.rel @p0 .LBB2_1-.Ltmp1, $4  }
0x6f: {  	[hbm:s14], [sflag:s29] =	dma.local [spmem:s31], $0x1400  }
0x70: {  	_ =	swait.ge [sflag:s15], $0x1400  }
0x71: {  	[sflag:s15] =	ssyncset.done $0x0  }
0x72: {  	[sflag:s15] =	ssyncadd.s32 $0xFFFFEC00  }
0x73: {  	_ =	sfence.sel $0x180000  }
0x74: {  	[bflag:$0x0] =	sbarrier.arrive $0xFFFF  }
0x75: {  	p0 =	sne.s32 s2, $0x0;
	_ =	strace $0x9000004A  }
0x76: {  	s0 =	sadd.s32 @!p0 $0x100000, s0;
	[bflag:$0x2] =	sbarrier.arrive $0xFFFF  }
0x77: {  	[sflag:s0] =	ssyncadd.tile.s32 @!p0 $0x1;
	_ =	shalt  }
.Lfunc_end2:
_tile_overlayer_lowered:
.L_overlay_start_2:
0x78: {  	(tag) =	ssettag $0x2  }
0x79: {  	s0 =	rddreg [dreg:$0x0];
	s2 =	stileid.u32  }
0x7a: {  	s1 =	rddreg [dreg:$0x1];
	p0 =	sne.s32 s2, $0x0  }
0x7b: {  	s3 =	rddreg [dreg:$0x2];
	[bflag:$0x3] =	sbarrier.arrive $0xFFFF;
	s2 =	simm.s32 @!p0 $0x1C03  }
0x7c: {  	[timem:s3], [sflag:s2] =	dma.local @!p0 [hbm:s0], s1  }
0x7d: {  	s0 =	simm.s32 @!p0 $0x3  }
0x7e: {  	_ =	swait.ge @!p0 [sflag:s0], s1  }
0x7f: {  	s1 =	ssub.s32 @!p0 $0x0, s1;
	[sflag:s0] =	ssyncset.done @!p0 $0x0  }
0x80: {  	[sflag:s0] =	ssyncadd.s32 @!p0 s1  }
0x81: {  	[bflag:$0x3] =	sbarrier.arrive $0xFFFF  }
0x82: {  	_ =	shalt  }

// kernel: kernel.18.cloned.1.call-start
scs
__scs_entry_jumppad:
0x0: {  	(pc) =	sbr.rel $0x88, $3  }
0x1: {  	(tag) =	ssettag $0x0;
	lr =	simm.s32 $0x1  }
0x2: {  	[smem:$0x3F7C] =	sst lr;
	_ =	strace $0xD0000000  }
0x3: {  	_ = 	snop  }
0x4: {  	_ = 	snop  }
0x5: {  	_ = 	snop  }
0x6: {  	_ = 	snop  }
0x7: {  	_ = 	snop  }
__scs_overlays_trampoline_lowered:
0x8: {  	[smem:$0x3F8B] =	sst s0  }
0x9: {  	[smem:$0x3F8C] =	sst s1  }
0xa: {  	[smem:$0x3F8D] =	sst s2  }
0xb: {  	[smem:$0x3F8E] =	sst s3  }
0xc: {  	[smem:$0x3F8F] =	sst s4  }
0xd: {  	[smem:$0x3F90] =	sst s5  }
0xe: {  	[smem:$0x3F91] =	sst s6  }
0xf: {  	[smem:$0x3F92] =	sst s7  }
0x10: {  	[smem:$0x3F93] =	sst s8  }
0x11: {  	[smem:$0x3F94] =	sst s9;
	s0 =	simm.s32 @!p0 $0x0  }
0x12: {  	s1 =	sld [smem:$0x3F7A];
	s0 =	simm.s32 @p0 $0x1  }
0x13: {  	[smem:$0x3F95] =	sst s0;
	s0 =	simm.s32 @!p1 $0x0  }
0x14: {  	s2 =	sld [smem:$0x3F79];
	s0 =	simm.s32 @p1 $0x1  }
0x15: {  	[smem:$0x3F96] =	sst s0;
	s0 =	simm.s32 @!p2 $0x0  }
0x16: {  	s3 =	sld [smem:$0x3FDB];
	s0 =	simm.s32 @p2 $0x1  }
0x17: {  	s4 =	simm.s32 $0x1BF5;
	[smem:$0x3F98] =	sst s0  }
0x18: {  	s0 =	sld [smem:$0x3F7B];
	_ =	swait.ge [sflag:s4], $0x0  }
0x19: {  	s7 =	sld [smem:$0x3F7C]  }
0x1a: {  	s8 =	sadd.s32 $0xFFFFE003, lr  }
0x1b: {  	s9 =	sadd.s32 $0xFFFFFEF7, lr;
	s5 =	simm.s32 $0xFFFFFFFF;
	p2 =	slt.u32 s8, $0xFFFFF086  }
0x1c: {  	p1 =	slt.u32 s9, $0xF7A;
	s5 =	simm.s32 @!p2 $0x0  }
0x1d: {  	s5 =	simm.s32 @p1 $0x1;
	p0 =	seq.s32 s7, s2  }
0x1e: {  	s7 =	smul.u32 @!p0 $0xF7A, s2;
	p2 =	seq.s32 @!p0 s5, $0x0  }
0x1f: {  	s9 =	smul.u32 $0xF7A, s1;
	s8 =	simm.s32 @!p0 $0x1BF5;
	p2 =	por !p2, p0  }
0x20: {  	[sflag:s8] =	ssyncset.s32 @!p0 $0xFFFFF086;
	s6 =	sadd.s32 @!p0 s3, s7;
	s7 =	simm.s32 @!p0 $0x108  }
0x21: {  	s3 =	sadd.s32 s3, s9;
	s6 =	sadd.s32 @!p0 $0x88, s6;
	s7 =	simm.s32 @p2 $0x1082  }
0x22: {  	[simem:s7], [sflag:s8] =	dma.local @!p0 [hbm:s6], $0xF7A  }
0x23: {  	s9 =	sor.u32 $0xD0000000, s2;
	s6 =	simm.s32 $0x108;
	_ =	swait.ge @!p0 [sflag:s8], $0x0  }
0x24: {  	s3 =	sadd.s32 $0x88, s3;
	s6 =	simm.s32 @!p1 $0x1082;
	[sflag:s4] =	ssyncset.s32 $0xFFFFF086  }
0x25: {  	[simem:s6], [sflag:s4] =	dma.local [hbm:s3], $0xF7A  }
0x26: {  	[smem:$0x3F7C] =	sst s1;
	(tag) =	ssettag s2;
	_ =	strace s9  }
0x27: {  	s1 =	sld [smem:$0x3F8C]  }
0x28: {  	s2 =	sld [smem:$0x3F8D]  }
0x29: {  	s4 =	sld [smem:$0x3F8F]  }
0x2a: {  	p0 =	seq.s32 s5, $0x0;
	s5 =	sld [smem:$0x3F90]  }
0x2b: {  	s6 =	sld [smem:$0x3F91]  }
0x2c: {  	s7 =	sld [smem:$0x3F92]  }
0x2d: {  	s3 =	simm.s32 $0x108;
	s8 =	sld [smem:$0x3F93]  }
0x2e: {  	s3 =	simm.s32 @!p0 $0x1082;
	s9 =	sld [smem:$0x3F94]  }
0x2f: {  	lr =	sadd.s32 s0, s3;
	s0 =	sld [smem:$0x3F8B]  }
0x30: {  	s3 =	sld [smem:$0x3F8E]  }
0x31: {  	[smem:$0x3F97] =	sst s10  }
0x32: {  	s10 =	sld [smem:$0x3F95];
	_ =	sdelay $0x3  }
0x33: {  	p0 =	seq.s32 s10, $0x1;
	s10 =	sld [smem:$0x3F97];
	_ =	sdelay $0x3  }
0x34: {  	[smem:$0x3F97] =	sst s10  }
0x35: {  	s10 =	sld [smem:$0x3F96];
	_ =	sdelay $0x3  }
0x36: {  	p1 =	seq.s32 s10, $0x1;
	s10 =	sld [smem:$0x3F97];
	_ =	sdelay $0x3  }
0x37: {  	[smem:$0x3F97] =	sst s10  }
0x38: {  	s10 =	sld [smem:$0x3F98]  }
0x39: {  	_ = 	snop;
	(pc) =	sbr.ind lr, $3  }
0x3a: {  	_ = 	snop  }
0x3b: {  	_ = 	snop  }
0x3c: {  	p2 =	seq.s32 s10, $0x1;
	s10 =	sld [smem:$0x3F97]  }
0x3d: {  	_ =	shalt  }
0x3e: {  	_ =	shalt  }
0x3f: {  	_ =	shalt  }
0x40: {  	_ =	shalt  }
0x41: {  	_ =	shalt  }
0x42: {  	_ =	shalt  }
0x43: {  	_ =	shalt  }
0x44: {  	_ =	shalt  }
0x45: {  	_ =	shalt  }
0x46: {  	_ =	shalt  }
0x47: {  	_ =	shalt  }
0x48: {  	_ =	shalt  }
0x49: {  	_ =	shalt  }
0x4a: {  	_ =	shalt  }
0x4b: {  	_ =	shalt  }
0x4c: {  	_ =	shalt  }
0x4d: {  	_ =	shalt  }
0x4e: {  	_ =	shalt  }
0x4f: {  	_ =	shalt  }
0x50: {  	_ =	shalt  }
0x51: {  	_ =	shalt  }
0x52: {  	_ =	shalt  }
0x53: {  	_ =	shalt  }
0x54: {  	_ =	shalt  }
0x55: {  	_ =	shalt  }
0x56: {  	_ =	shalt  }
0x57: {  	_ =	shalt  }
0x58: {  	_ =	shalt  }
0x59: {  	_ =	shalt  }
0x5a: {  	_ =	shalt  }
0x5b: {  	_ =	shalt  }
0x5c: {  	_ =	shalt  }
0x5d: {  	_ =	shalt  }
0x5e: {  	_ =	shalt  }
0x5f: {  	_ =	shalt  }
0x60: {  	_ =	shalt  }
0x61: {  	_ =	shalt  }
0x62: {  	_ =	shalt  }
0x63: {  	_ =	shalt  }
0x64: {  	_ =	shalt  }
0x65: {  	_ =	shalt  }
0x66: {  	_ =	shalt  }
0x67: {  	_ =	shalt  }
0x68: {  	_ =	shalt  }
0x69: {  	_ =	shalt  }
0x6a: {  	_ =	shalt  }
0x6b: {  	_ =	shalt  }
0x6c: {  	_ =	shalt  }
0x6d: {  	_ =	shalt  }
0x6e: {  	_ =	shalt  }
0x6f: {  	_ =	shalt  }
0x70: {  	_ =	shalt  }
0x71: {  	_ =	shalt  }
0x72: {  	_ =	shalt  }
0x73: {  	_ =	shalt  }
0x74: {  	_ =	shalt  }
0x75: {  	_ =	shalt  }
0x76: {  	_ =	shalt  }
0x77: {  	_ =	shalt  }
0x78: {  	_ =	shalt  }
0x79: {  	_ =	shalt  }
0x7a: {  	_ =	shalt  }
0x7b: {  	_ =	shalt  }
0x7c: {  	_ =	shalt  }
0x7d: {  	_ =	shalt  }
0x7e: {  	_ =	shalt  }
0x7f: {  	_ =	shalt  }
0x80: {  	_ =	shalt  }
0x81: {  	_ =	shalt  }
0x82: {  	_ =	shalt  }
0x83: {  	_ =	shalt  }
0x84: {  	_ =	shalt  }
0x85: {  	_ =	shalt  }
0x86: {  	_ =	shalt  }
0x87: {  	_ =	shalt  }
.Lfunc_end0:
.L_simem_size_0:
called_computation.2_lowered:
.L_overlay_start_0:
0x88: {  	s2 =	sld [smem:$0x3FD9]  }
0x89: {  	s3 =	sld [smem:$0x3FFE];
	_ =	sdelay $0x1  }
0x8a: {  	s1 =	srdreg.scid  }
0x8b: {  	s0 =	sand.u32 $0x1, s1  }
0x8c: {  	s16 =	sshll.u32 s0, $0xA;
	s2 =	sadd.s32 s3, s2  }
0x8d: {  	s2 =	sadd.s32 s2, s16  }
0x8e: {  	[smem:$0x3FA3] =	sst s2  }
0x8f: {  	_ = 	snop  }
0x90: {  	(tm) =	ssettm $0x1  }
0x91: {  	s17 =	sld [smem:$0x3FFB];
	_ =	sdelay $0x3  }
0x92: {  	_ =	strace s17  }
0x93: {  	s2 =	sld [smem:$0x3FFC];
	_ =	sdelay $0x3  }
0x94: {  	_ =	strace s2  }
0x95: {  	s2 =	sld [smem:$0x3FFD];
	_ =	sdelay $0x3  }
0x96: {  	_ =	strace s2  }
0x97: {  	_ =	strace $0x8FFFFFFF  }
0x98: {  	s18 =	sld [smem:$0x3FDB];
	_ =	sdelay $0x1  }
0x99: {  	s19 =	simm.s32 $_scs_section_size  }
0x9a: {  	s4 =	simm.s32 $_size__tile_overlayer_lowered;
	s5 =	simm.s32 $_tile_overlayer_lowered  }
0x9b: {  	s22 =	simm.s32 $0x1BFF;
	s21 =	sshll.u32 s5, $0x1;
	s2 =	sadd.s32 s19, s18  }
0x9c: {  	s6 =	simm.s32 $0x0;
	s20 =	sshll.u32 s4, $0x1;
	s4 =	sadd.s32 s21, s2  }
0x9d: {  	[timem:s6], [sflag:s22] =	dma.local [hbm:s4], s20  }
0x9e: {  	_ =	swait.ge [sflag:s22], s20  }
0x9f: {  	s3 =	ssub.s32 $0x0, s20;
	[sflag:s22] =	ssyncset.done $0x0  }
0xa0: {  	[sflag:s22] =	ssyncadd.s32 s3;
	_ =	sdelay $0x1  }
0xa1: {  	s23 =	simm.s32 $0x1B8B  }
0xa2: {  	_ =	swait.ge [sflag:s23], $0x1  }
0xa3: {  	[sflag:s23] =	ssyncset.done $0x0  }
0xa4: {  	s25 =	simm.s32 $0x1B8E;
	s24 =	sld [smem:$0x3FFE];
	[sflag:s23] =	ssyncadd.s32 $0xFFFFFFFF  }
0xa5: {  	s26 =	simm.s32 $execute0_lowered;
	[smem:$0x3FD2] =	sst s25  }
0xa6: {  	s4 =	sshll.u32 s26, $0x1;
	_ =	strace $0x8000004C;
	[dreg:$0x1] =	wrdreg $0xFFFFFFFF  }
0xa7: {  	s28 =	simm.s32 $_size_execute0_lowered;
	s2 =	sadd.s32 s2, s4;
	[dreg:$0x0] =	wrdreg $0x0  }
0xa8: {  	s4 =	sshll.u32 s28, $0x1;
	[dreg:$0x2] =	wrdreg s2  }
0xa9: {  	[dreg:$0x3] =	wrdreg s4  }
0xaa: {  	[dreg:$0x4] =	wrdreg $0xC0  }
0xab: {  	_ =	task [dreg:s6], $0x5FFFF  }
0xac: {  	[dreg:$0x1] =	wrdreg $0xFFFFFFFF  }
0xad: {  	[dreg:$0x0] =	wrdreg $0x60  }
0xae: {  	[dreg:$0x2] =	wrdreg s24  }
0xaf: {  	[dreg:$0x3] =	wrdreg $0x140000  }
0xb0: {  	[dreg:$0x4] =	wrdreg $0x9  }
0xb1: {  	_ =	task.clear_ibuf [dreg:s6], $0x5FFFF;
	_ =	strace $0x9000004C  }
0xb2: {  	s29 =	simm.s32 $0x9;
	_ =	strace $0x8000004E  }
0xb3: {  	_ =	swait.ge [sflag:s29], $0x1  }
0xb4: {  	[sflag:s29] =	ssyncadd.s32 $0xFFFFFFFF  }
0xb5: {  	_ =	strace $0x9000004E  }
0xb6: {  	_ =	sfence  }
0xb7: {  	s30 =	sld [smem:$0x0];
	_ =	sdelay $0x2  }
0xb8: {  	s31 =	sshll.u32 s1, $0xD;
	s1 =	sshrl.u32 s1, $0x2  }
0xb9: {  	s3 =	sand.u32 $0x4000, s31;
	s1 =	sadd.s32 s1, s30  }
0xba: {  	s0 =	sor.u32 s3, s0;
	s1 =	sshll.u32 s1, $0x11  }
0xbb: {  	s0 =	sor.u32 s1, s0  }
0xbc: {  	s0 =	sadd.s32 $0x8F2B, s0  }
0xbd: {  	[sflag:s0] =	ssyncadd.remote.s32 $0x1  }
0xbe: {  	_ =	sfence.sel $0xFFFF  }
0xbf: {  	[dreg:$0x0] =	wrdreg $0xFFFFFFFF;
	(pc) =	sbr.abs _section_cstart, $3  }
0xc0: {  	[dreg:$0x1] =	wrdreg $0xFFFFFFFF  }
0xc1: {  	_ =	task.clear_ibuf [dreg:s6], $0x2FFFF;
	_ =	strace $0x9FFFFFFF  }
0xc2: {  	(tm) =	ssettm $0x7FFFFFFF  }
0xc3: {  	_ =	shalt  }
tec
execute0_lowered:
.L_overlay_start_1:
0x0: {  	(tag) =	ssettag $0x1  }
0x1: {  	s13 =	rddreg [dreg:$0x0]  }
0x2: {  	s1 =	rddreg [dreg:$0x1]  }
0x3: {  	s2 =	srdreg.scid;
	s0 =	rddreg [dreg:$0x2]  }
0x4: {  	s3 =	simm.s32 $0x0;
	s15 =	simm.s32 $0x62200;
	s17 =	simm.s32 $0x12000  }
0x5: {  	s18 =	simm.s32 $0x80;
	s19 =	simm.s32 $0xA000;
	s20 =	simm.s32 $0xE000  }
0x6: {  	s21 =	simm.s32 $0x1;
	s22 =	simm.s32 $0x2;
	s23 =	simm.s32 $0x9D00  }
0x7: {  	s24 =	simm.s32 $0x4E00;
	s25 =	simm.s32 $0x9D80;
	s26 =	simm.s32 $0x9E00  }
0x8: {  	s28 =	simm.s32 $0x0;
	s10 =	sand.u32 $0x1, s2;
	s2 =	stileid.u32  }
0x9: {  	[smem:$0x7FF] =	sst s3;
	s4 =	sshll.u32 s10, $0x4;
	s5 =	smul.u32 $0xA00, s2  }
0xa: {  	_ =	strace $0x8000004D;
	s7 =	ssub.s32 $0x2, s10;
	s8 =	smul.u32 $0x28000, s2  }
0xb: {  	p0 =	seq.s32 s10, $0x1;
	s16 =	smul.u32 $0x1400, s2;
	s4 =	sor.u32 s2, s4  }
0xc: {  	s31 =	sshrl.u32 s7, $0x1;
	s15 =	simm.s32 @!p0 $0x4E200;
	s6 =	smul.u32 $0xA00, s4  }
0xd: {  	s4 =	sadd.s32 $0x27000, s13;
	s9 =	sadd.s32 s5, s13;
	s5 =	sadd.s32 $0x26C00, s13  }
0xe: {  	s14 =	ssub.s32 s7, s31;
	s8 =	sshrl.u32 s8, $0x2;
	s15 =	sadd.s32 s15, s13  }
0xf: {  	s8 =	sadd.s32 s8, s1;
	s11 =	sadd.s32 s6, s13;
	s6 =	sadd.s32 $0x1CC00, s9  }
0x10: {  	s9 =	sadd.s32 $0x2000, s8;
	s10 =	sadd.s32 $0x4000, s8;
	s12 =	sadd.s32 $0x8000, s8  }
0x11: {  	s13 =	smax.u32 s14, $0x1;
	s14 =	sadd.s32 s15, s16;
	s15 =	simm.s32 $0x3  }
0x12: {  	s16 =	simm.s32 $0x5000;
	s7 =	sadd.s32 $0x8C00, s11;
	s11 =	sadd.s32 $0x6000, s8  }
.LBB2_1:
0x13: {  	[tilespmem:s3], [sflag:$0x3] =	stream.linear.gather [hbm4b:s6+s3], $0x4E80, $0x38;
	[tilespmem:$0x1E000] =	vst v63  }
0x14: {  	_ =	swait.ge [sflag:s15], $0x4E80  }
0x15: {  	[sflag:s15] =	ssyncset.done $0x0  }
0x16: {  	[sflag:s15] =	ssyncadd.s32 $0xFFFFB180  }
0x17: {  	[tilespmem:s16], [sflag:$0x3] =	stream.linear.gather [hbm4b:s7+s3], $0x4E80, $0x38;
	[tilespmem:$0x1E000] =	vst v63  }
0x18: {  	_ =	swait.ge [sflag:s15], $0x4E80  }
0x19: {  	[sflag:s15] =	ssyncset.done $0x0  }
0x1a: {  	[sflag:s15] =	ssyncadd.s32 $0xFFFFB180  }
0x1b: {  	[tilespmem:s17], [sflag:$0x3] =	stream.linear.gather [hbm4b:s5+s3], $0x2000, $0x38;
	[tilespmem:$0x1E000] =	vst v63  }
0x1c: {  	_ =	swait.ge [sflag:s15], $0x2000  }
0x1d: {  	[sflag:s15] =	ssyncset.done $0x0  }
0x1e: {  	[sflag:s15] =	ssyncadd.s32 $0xFFFFE000  }
0x1f: {  	[spmem:s8] =	stream.linear.scatter [tilespmem:s17], [sflag:$0x3], $0x2000, $0x38;
	[tilespmem:$0x1E000] =	vst v63  }
0x20: {  	_ =	swait.ge [sflag:s15], $0x2000  }
0x21: {  	[sflag:s15] =	ssyncset.done $0x0  }
0x22: {  	[sflag:s15] =	ssyncadd.s32 $0xFFFFE000  }
0x23: {  	[spmem:s9] =	stream.linear.scatter [tilespmem:s17], [sflag:$0x3], $0x2000, $0x38;
	[tilespmem:$0x1E000] =	vst v63  }
0x24: {  	_ =	swait.ge [sflag:s15], $0x2000  }
0x25: {  	[sflag:s15] =	ssyncset.done $0x0  }
0x26: {  	[sflag:s15] =	ssyncadd.s32 $0xFFFFE000  }
0x27: {  	[spmem:s10] =	stream.linear.scatter [tilespmem:s17], [sflag:$0x3], $0x2000, $0x38;
	[tilespmem:$0x1E000] =	vst v63  }
0x28: {  	_ =	swait.ge [sflag:s15], $0x2000  }
0x29: {  	[sflag:s15] =	ssyncset.done $0x0  }
0x2a: {  	[sflag:s15] =	ssyncadd.s32 $0xFFFFE000  }
0x2b: {  	[spmem:s11] =	stream.linear.scatter [tilespmem:s17], [sflag:$0x3], $0x2000, $0x38;
	[tilespmem:$0x1E000] =	vst v63  }
0x2c: {  	_ =	swait.ge [sflag:s15], $0x2000  }
0x2d: {  	[sflag:s15] =	ssyncset.done $0x0  }
0x2e: {  	[sflag:s15] =	ssyncadd.s32 $0xFFFFE000  }
0x2f: {  	[spmem:s12] =	stream.linear.scatter [tilespmem:s17], [sflag:$0x3], $0x2000, $0x38;
	[tilespmem:$0x1E000] =	vst v63  }
0x30: {  	_ =	swait.ge [sflag:s15], $0x2000  }
0x31: {  	[sflag:s15] =	ssyncset.done $0x0  }
0x32: {  	[sflag:s15] =	ssyncadd.s32 $0xFFFFE000  }
0x33: {  	[bflag:$0x0] =	sbarrier.arrive $0xFFFF  }
0x34: {  	[tilespmem:s19], [sflag:$0x1] =	stream.indirect.gather [hbm4b:s4+s18], $0x80, s3, s18, $0xb8;
	[tilespmem:$0x1E000] =	vst v63  }
0x35: {  	_ = 	snop  }
0x36: {  	[tilespmem:s20], [sflag:$0x2] =	stream.indirect.gather [hbm4b:s4+s18], $0x80, s18, s18, $0xb8;
	[tilespmem:$0x1E000] =	vst v63  }
0x37: {  	_ =	swait.ge [sflag:s21], $0x4000  }
0x38: {  	[sflag:s21] =	ssyncset.done $0x0  }
0x39: {  	s29 =	simm.s32 $0x5000;
	[sflag:s21] =	ssyncadd.s32 $0xFFFFC000  }
0x3a: {  	[spmem:s1] =	stream.indirect.scatter.add.f32 [tilespmem:s19], [sflag:$0x3], $0x80, s29, s18, $0xb8;
	[tilespmem:$0x1E000] =	vst v63  }
0x3b: {  	_ =	swait.ge [sflag:s15], $0x4000  }
0x3c: {  	[sflag:s15] =	ssyncset.done $0x0  }
0x3d: {  	s29 =	simm.s32 $0x100;
	[sflag:s15] =	ssyncadd.s32 $0xFFFFC000  }
0x3e: {  	[tilespmem:s19], [sflag:$0x1] =	stream.indirect.gather [hbm4b:s4+s18], $0x80, s29, s18, $0xb8;
	[tilespmem:$0x1E000] =	vst v63  }
0x3f: {  	_ =	swait.ge [sflag:s22], $0x4000  }
0x40: {  	[sflag:s22] =	ssyncset.done $0x0  }
0x41: {  	s29 =	simm.s32 $0x5080;
	[sflag:s22] =	ssyncadd.s32 $0xFFFFC000  }
0x42: {  	[spmem:s1] =	stream.indirect.scatter.add.f32 [tilespmem:s20], [sflag:$0x3], $0x80, s29, s18, $0xb8;
	[tilespmem:$0x1E000] =	vst v63  }
0x43: {  	_ =	swait.ge [sflag:s15], $0x4000  }
0x44: {  	[sflag:s15] =	ssyncset.done $0x0  }
0x45: {  	s30 =	simm.s32 $0x180;
	s29 =	simm.s32 $0x400;
	[sflag:s15] =	ssyncadd.s32 $0xFFFFC000  }
.LBB2_2:
0x46: {  	[tilespmem:s20], [sflag:$0x2] =	stream.indirect.gather [hbm4b:s4+s18], $0x80, s30, s18, $0xb8;
	[tilespmem:$0x1E000] =	vst v63  }
0x47: {  	s30 =	smov.u32 s29  }
0x48: {  	p0 =	sne.s32 s29, $0x13000;
	s29 =	sadd.s32 $0x400, s29;
	_ =	swait.ge [sflag:s21], $0x4000  }
0x49: {  	s30 =	sshra.s32 s30, $0x2;
	[sflag:s21] =	ssyncset.done $0x0  }
0x4a: {  	s31 =	sadd.s32 $0x5000, s30;
	[sflag:s21] =	ssyncadd.s32 $0xFFFFC000  }
0x4b: {  	[spmem:s1] =	stream.indirect.scatter.add.f32 [tilespmem:s19], [sflag:$0x3], $0x80, s31, s18, $0xb8;
	[tilespmem:$0x1E000] =	vst v63  }
0x4c: {  	_ =	swait.ge [sflag:s15], $0x4000  }
0x4d: {  	[sflag:s15] =	ssyncset.done $0x0  }
0x4e: {  	s31 =	sadd.s32 $0x100, s30;
	[sflag:s15] =	ssyncadd.s32 $0xFFFFC000  }
0x4f: {  	[tilespmem:s19], [sflag:$0x1] =	stream.indirect.gather [hbm4b:s4+s18], $0x80, s31, s18, $0xb8;
	[tilespmem:$0x1E000] =	vst v63  }
0x50: {  	_ =	swait.ge [sflag:s22], $0x4000  }
0x51: {  	[sflag:s22] =	ssyncset.done $0x0  }
.Ltmp0:
0x52: {  	s31 =	sadd.s32 $0x5080, s30;
	[sflag:s22] =	ssyncadd.s32 $0xFFFFC000;
	(pc) =	sbr.rel @p0 .LBB2_2-.Ltmp0, $4  }
0x53: {  	[spmem:s1] =	stream.indirect.scatter.add.f32 [tilespmem:s20], [sflag:$0x3], $0x80, s31, s18, $0xb8;
	[tilespmem:$0x1E000] =	vst v63  }
0x54: {  	_ =	swait.ge [sflag:s15], $0x4000  }
0x55: {  	[sflag:s15] =	ssyncset.done $0x0  }
0x56: {  	s30 =	sadd.s32 $0x180, s30;
	[sflag:s15] =	ssyncadd.s32 $0xFFFFC000  }
0x57: {  	[tilespmem:s20], [sflag:$0x2] =	stream.indirect.gather [hbm4b:s4+s18], $0x80, s30, s18, $0xb8;
	[tilespmem:$0x1E000] =	vst v63  }
0x58: {  	_ =	swait.ge [sflag:s21], $0x4000  }
0x59: {  	[sflag:s21] =	ssyncset.done $0x0  }
0x5a: {  	[sflag:s21] =	ssyncadd.s32 $0xFFFFC000  }
0x5b: {  	[spmem:s1] =	stream.indirect.scatter.add.f32 [tilespmem:s19], [sflag:$0x3], $0x80, s23, s18, $0xb8;
	[tilespmem:$0x1E000] =	vst v63  }
0x5c: {  	_ =	swait.ge [sflag:s15], $0x4000  }
0x5d: {  	[sflag:s15] =	ssyncset.done $0x0  }
0x5e: {  	[sflag:s15] =	ssyncadd.s32 $0xFFFFC000  }
0x5f: {  	[tilespmem:s19], [sflag:$0x1] =	stream.indirect.gather [hbm4b:s4+s18], $0x80, s24, s18, $0xb8;
	[tilespmem:$0x1E000] =	vst v63  }
0x60: {  	_ =	swait.ge [sflag:s22], $0x4000  }
0x61: {  	[sflag:s22] =	ssyncset.done $0x0  }
0x62: {  	[sflag:s22] =	ssyncadd.s32 $0xFFFFC000  }
0x63: {  	[spmem:s1] =	stream.indirect.scatter.add.f32 [tilespmem:s20], [sflag:$0x3], $0x80, s25, s18, $0xb8;
	[tilespmem:$0x1E000] =	vst v63  }
0x64: {  	_ =	swait.ge [sflag:s15], $0x4000  }
0x65: {  	[sflag:s15] =	ssyncset.done $0x0  }
0x66: {  	[sflag:s15] =	ssyncadd.s32 $0xFFFFC000  }
0x67: {  	_ =	swait.ge [sflag:s21], $0x4000  }
0x68: {  	[sflag:s21] =	ssyncset.done $0x0  }
0x69: {  	[sflag:s21] =	ssyncadd.s32 $0xFFFFC000  }
0x6a: {  	[spmem:s1] =	stream.indirect.scatter.add.f32 [tilespmem:s19], [sflag:$0x3], $0x80, s26, s18, $0xb8;
	[tilespmem:$0x1E000] =	vst v63  }
0x6b: {  	_ =	swait.ge [sflag:s15], $0x4000  }
0x6c: {  	s29 =	sshll.u32 s2, $0x6;
	s28 =	sadd.s32 $0x1, s28;
	[sflag:s15] =	ssyncset.done $0x0  }
0x6d: {  	s31 =	sshrl.u32 s8, $0x3;
	p0 =	sne.s32 s28, s13;
	[sflag:s15] =	ssyncadd.s32 $0xFFFFC000  }
.Ltmp1:
0x6e: {  	s29 =	sor.u32 $0x1C03, s29;
	[bflag:$0x0] =	sbarrier.arrive $0xFFFF;
	(pc) =	sbr.rel @p0 .LBB2_1-.Ltmp1, $4  }
0x6f: {  	[hbm:s14], [sflag:s29] =	dma.local [spmem:s31], $0x1400  }
0x70: {  	_ =	swait.ge [sflag:s15], $0x1400  }
0x71: {  	[sflag:s15] =	ssyncset.done $0x0  }
0x72: {  	[sflag:s15] =	ssyncadd.s32 $0xFFFFEC00  }
0x73: {  	_ =	sfence.sel $0x180000  }
0x74: {  	[bflag:$0x0] =	sbarrier.arrive $0xFFFF  }
0x75: {  	p0 =	sne.s32 s2, $0x0;
	_ =	strace $0x9000004D  }
0x76: {  	s0 =	sadd.s32 @!p0 $0x100000, s0;
	[bflag:$0x2] =	sbarrier.arrive $0xFFFF  }
0x77: {  	[sflag:s0] =	ssyncadd.tile.s32 @!p0 $0x1;
	_ =	shalt  }
.Lfunc_end2:
_tile_overlayer_lowered:
.L_overlay_start_2:
0x78: {  	(tag) =	ssettag $0x2  }
0x79: {  	s0 =	rddreg [dreg:$0x0];
	s2 =	stileid.u32  }
0x7a: {  	s1 =	rddreg [dreg:$0x1];
	p0 =	sne.s32 s2, $0x0  }
0x7b: {  	s3 =	rddreg [dreg:$0x2];
	[bflag:$0x3] =	sbarrier.arrive $0xFFFF;
	s2 =	simm.s32 @!p0 $0x1C03  }
0x7c: {  	[timem:s3], [sflag:s2] =	dma.local @!p0 [hbm:s0], s1  }
0x7d: {  	s0 =	simm.s32 @!p0 $0x3  }
0x7e: {  	_ =	swait.ge @!p0 [sflag:s0], s1  }
0x7f: {  	s1 =	ssub.s32 @!p0 $0x0, s1;
	[sflag:s0] =	ssyncset.done @!p0 $0x0  }
0x80: {  	[sflag:s0] =	ssyncadd.s32 @!p0 s1  }
0x81: {  	[bflag:$0x3] =	sbarrier.arrive $0xFFFF  }
0x82: {  	_ =	shalt  }

</sc_bundles>
